<compile_context>
chip_gen: v7x
topology: tpu7x:2x2x1
jax: 0.10.2.dev20260603
libtpu: 0.0.44.dev20260713+nightly
codegen_flags: <defaults>
</compile_context>

<pallas_src>
import functools

import jax
import jax.numpy as jnp
from jax import lax
from jax.experimental import pallas as pl
from jax.experimental.pallas import tpu as pltpu
from jax.experimental.pallas import tpu_sc as plsc

_N = 10000
_E = 320000
_NSUB = 16
_NCORE = 2
_NW = _NCORE * _NSUB
_CHUNK = 128
_BLK = 16
_CHUNKS = 80
_NBLK = _CHUNKS // _BLK
_EPAD = _NW * _CHUNKS * _CHUNK
_NPAD = 10112
_RPT = _NPAD // _NSUB
_DW = 128

_mesh = plsc.VectorSubcoreMesh(core_axis_name="c", subcore_axis_name="s")


def _sc_degree_body(dst_hbm, zeros_hbm, ones_hbm, out_hbm,
                    dst_v, ones_v, deg_sh):
    cid = lax.axis_index("c")
    sid = lax.axis_index("s")
    wid = cid * _NSUB + sid
    row0 = sid * _RPT
    pltpu.sync_copy(zeros_hbm.at[pl.ds(row0, _RPT)],
                    deg_sh.at[pl.ds(row0, _RPT)])
    pltpu.sync_copy(dst_hbm.at[wid], dst_v)
    pltpu.sync_copy(ones_hbm, ones_v)
    plsc.subcore_barrier()

    def step(j, carry):
        pltpu.sync_copy(ones_v, deg_sh.at[dst_v.at[j]], add=True)
        return carry

    lax.fori_loop(0, _CHUNKS, step, 0)
    plsc.subcore_barrier()
    pltpu.sync_copy(deg_sh.at[pl.ds(row0, _RPT)],
                    out_hbm.at[cid, pl.ds(row0, _RPT)])


def _sc_degree(dst_idx, zeros_w, ones_w):
    return pl.kernel(
        _sc_degree_body,
        out_type=jax.ShapeDtypeStruct((_NCORE, _NPAD, _DW), jnp.float32),
        mesh=_mesh,
        scratch_types=[
            pltpu.VMEM((_CHUNKS, _CHUNK), jnp.int32),
            pltpu.VMEM((_CHUNK, _DW), jnp.float32),
            pltpu.VMEM_SHARED((_NPAD, _DW), jnp.float32),
        ],
    )(dst_idx, zeros_w, ones_w)


def _sc_scatter_body(table_hbm, src_hbm, dst_hbm, zeros_hbm, out_hbm,
                     src_r, dst_r, rows_a, rows_b, acc_sh,
                     sem_a, sem_b, sem_i):
    cid = lax.axis_index("c")
    sid = lax.axis_index("s")
    wid = cid * _NSUB + sid
    row0 = sid * _RPT
    pltpu.sync_copy(src_hbm.at[wid, pl.ds(0, _BLK)], src_r.at[pl.ds(0, _BLK)])
    pltpu.sync_copy(dst_hbm.at[wid, pl.ds(0, _BLK)], dst_r.at[pl.ds(0, _BLK)])
    pltpu.sync_copy(zeros_hbm.at[pl.ds(row0, _RPT)],
                    acc_sh.at[pl.ds(row0, _RPT)])
    plsc.subcore_barrier()

    def block(b, carry):
        slot = (b % 2) * _BLK
        nslot = ((b + 1) % 2) * _BLK

        @pl.when(b > 0)
        def _():
            pltpu.make_async_copy(src_hbm.at[wid, pl.ds(b * _BLK, _BLK)],
                                  src_r.at[pl.ds(slot, _BLK)], sem_i).wait()
            pltpu.make_async_copy(dst_hbm.at[wid, pl.ds(b * _BLK, _BLK)],
                                  dst_r.at[pl.ds(slot, _BLK)], sem_i).wait()

        @pl.when(b + 1 < _NBLK)
        def _():
            pltpu.async_copy(src_hbm.at[wid, pl.ds((b + 1) * _BLK, _BLK)],
                             src_r.at[pl.ds(nslot, _BLK)], sem_i)
            pltpu.async_copy(dst_hbm.at[wid, pl.ds((b + 1) * _BLK, _BLK)],
                             dst_r.at[pl.ds(nslot, _BLK)], sem_i)

        pltpu.async_copy(table_hbm.at[src_r.at[slot]], rows_a, sem_a)

        def pair(p, c2):
            r = slot + 2 * p
            pltpu.async_copy(table_hbm.at[src_r.at[r + 1]], rows_b, sem_b)
            pltpu.make_async_copy(table_hbm.at[src_r.at[r]], rows_a,
                                  sem_a).wait()
            pltpu.sync_copy(rows_a, acc_sh.at[dst_r.at[r]], add=True)
            pltpu.async_copy(table_hbm.at[src_r.at[r + 2]], rows_a, sem_a)
            pltpu.make_async_copy(table_hbm.at[src_r.at[r + 1]], rows_b,
                                  sem_b).wait()
            pltpu.sync_copy(rows_b, acc_sh.at[dst_r.at[r + 1]], add=True)
            return c2

        lax.fori_loop(0, _BLK // 2 - 1, pair, 0)
        pltpu.async_copy(table_hbm.at[src_r.at[slot + _BLK - 1]], rows_b,
                         sem_b)
        pltpu.make_async_copy(table_hbm.at[src_r.at[slot + _BLK - 2]], rows_a,
                              sem_a).wait()
        pltpu.sync_copy(rows_a, acc_sh.at[dst_r.at[slot + _BLK - 2]], add=True)
        pltpu.make_async_copy(table_hbm.at[src_r.at[slot + _BLK - 1]], rows_b,
                              sem_b).wait()
        pltpu.sync_copy(rows_b, acc_sh.at[dst_r.at[slot + _BLK - 1]], add=True)
        return carry

    lax.fori_loop(0, _NBLK, block, 0)
    plsc.subcore_barrier()
    pltpu.sync_copy(acc_sh.at[pl.ds(row0, _RPT)],
                    out_hbm.at[cid, pl.ds(row0, _RPT)])


def _sc_scatter(table, src_idx, dst_idx, zeros_f):
    return pl.kernel(
        _sc_scatter_body,
        out_type=jax.ShapeDtypeStruct((_NCORE, _NPAD, 128), jnp.float32),
        mesh=_mesh,
        scratch_types=[
            pltpu.VMEM((2 * _BLK, _CHUNK), jnp.int32),
            pltpu.VMEM((2 * _BLK, _CHUNK), jnp.int32),
            pltpu.VMEM((_CHUNK, 128), jnp.float32),
            pltpu.VMEM((_CHUNK, 128), jnp.float32),
            pltpu.VMEM_SHARED((_NPAD, 128), jnp.float32),
            pltpu.SemaphoreType.DMA,
            pltpu.SemaphoreType.DMA,
            pltpu.SemaphoreType.DMA,
        ],
    )(table, src_idx, dst_idx, zeros_f)


_BR = 400
_GRID = _N // _BR


def _dinv_of(deg_ref):
    deg = deg_ref[0, :, :1] + deg_ref[1, :, :1] + 1.0
    return lax.rsqrt(deg)


def _tc_prep_body(deg_ref, x_ref, xs_ref):
    xs_ref[:, :] = x_ref[:, :] * _dinv_of(deg_ref)


def _tc_prep(degp, x):
    return pl.pallas_call(
        _tc_prep_body,
        grid=(_GRID,),
        in_specs=[
            pl.BlockSpec((2, _BR, _DW), lambda i: (0, i, 0)),
            pl.BlockSpec((_BR, 128), lambda i: (i, 0)),
        ],
        out_specs=pl.BlockSpec((_BR, 128), lambda i: (i, 0)),
        out_shape=jax.ShapeDtypeStruct((_NPAD, 128), jnp.float32),
    )(degp, x)


def _tc_mm1_body(deg_ref, p_ref, x_ref, w1_ref, b1_ref,
                 wc_ref, h2_ref, hs_ref):
    dinv = _dinv_of(deg_ref)
    agg = (dinv * (p_ref[0, :, :] + p_ref[1, :, :])
           + (dinv * dinv) * x_ref[:, :])
    hid = jnp.dot(agg, w1_ref[:, :], preferred_element_type=jnp.float32)
    hid = jnp.maximum(hid + b1_ref[:, :], 0.0)
    h2 = jnp.dot(hid, wc_ref[:, :], preferred_element_type=jnp.float32)
    h2_ref[:, :] = h2
    hs_ref[:, :] = h2 * dinv


def _tc_mm1(degp, p, x, w1, b1, wc):
    return pl.pallas_call(
        _tc_mm1_body,
        grid=(_GRID,),
        in_specs=[
            pl.BlockSpec((2, _BR, _DW), lambda i: (0, i, 0)),
            pl.BlockSpec((2, _BR, 128), lambda i: (0, i, 0)),
            pl.BlockSpec((_BR, 128), lambda i: (i, 0)),
            pl.BlockSpec((128, 256), lambda i: (0, 0)),
            pl.BlockSpec((1, 256), lambda i: (0, 0)),
            pl.BlockSpec((256, 128), lambda i: (0, 0)),
        ],
        out_specs=[
            pl.BlockSpec((_BR, 128), lambda i: (i, 0)),
            pl.BlockSpec((_BR, 128), lambda i: (i, 0)),
        ],
        out_shape=[
            jax.ShapeDtypeStruct((_N, 128), jnp.float32),
            jax.ShapeDtypeStruct((_NPAD, 128), jnp.float32),
        ],
    )(degp, p, x, w1, b1, wc)


def _tc_mm2_body(deg_ref, q_ref, h2_ref, bc_ref, out_ref):
    dinv = _dinv_of(deg_ref)
    out_ref[:, :] = (dinv * (q_ref[0, :, :] + q_ref[1, :, :])
                     + (dinv * dinv) * h2_ref[:, :] + bc_ref[:, :])


def _tc_mm2(degp, q, h2, bc):
    return pl.pallas_call(
        _tc_mm2_body,
        grid=(_GRID,),
        in_specs=[
            pl.BlockSpec((2, _BR, _DW), lambda i: (0, i, 0)),
            pl.BlockSpec((2, _BR, 128), lambda i: (0, i, 0)),
            pl.BlockSpec((_BR, 128), lambda i: (i, 0)),
            pl.BlockSpec((1, 128), lambda i: (0, 0)),
        ],
        out_specs=pl.BlockSpec((_BR, 128), lambda i: (i, 0)),
        out_shape=jax.ShapeDtypeStruct((_N, 128), jnp.float32),
    )(degp, q, h2, bc)


@jax.jit
def kernel(x, edge_index, W1, b1, Wmu, bmu, Wls, bls):
    src = edge_index[0]
    dst = edge_index[1]
    pad = _N + (jnp.arange(_EPAD - _E, dtype=jnp.int32) % (_NPAD - _N))
    src3 = jnp.concatenate([src, pad]).reshape(_NW, _CHUNKS, _CHUNK)
    dst3 = jnp.concatenate([dst, pad]).reshape(_NW, _CHUNKS, _CHUNK)

    zeros_w = jnp.zeros((_NPAD, _DW), jnp.float32)
    ones_w = jnp.ones((_CHUNK, _DW), jnp.float32)
    zeros_f = jnp.zeros((_NPAD, 128), jnp.float32)

    degp = _sc_degree(dst3, zeros_w, ones_w)
    xs = _tc_prep(degp, x)
    p = _sc_scatter(xs, src3, dst3, zeros_f)

    wc = jnp.concatenate([Wmu, Wls], axis=1)
    bc = jnp.concatenate([bmu, bls]).reshape(1, 128)
    h2, hs = _tc_mm1(degp, p, x, W1, b1.reshape(1, 256), wc)

    q = _sc_scatter(hs, src3, dst3, zeros_f)
    out2 = _tc_mm2(degp, q, h2, bc)
    return out2[:, :64], out2[:, 64:]

# --- scband reference (transcript-rebuilt; emitter-appended) ---
"""Pipeline reference for scband-gcnencoder-89060441850219 (READ-ONLY COPY).

The authoritative reference and input builder live on the scoring server;
editing this copy changes nothing except your own understanding.
"""

import jax, jax.numpy as jnp
import numpy as np

N = 10000
E = 320000
D_IN = 128
D_HID = 256
D_LAT = 64


def setup_inputs(seed: int = 0) -> dict:
    key = jax.random.key(seed)
    ks = jax.random.split(key, 8)
    x = jax.random.normal(ks[0], (N, D_IN), dtype=jnp.float32)
    edge_index = jax.random.randint(ks[1], (2, E), 0, N, dtype=jnp.int32)
    # GCNConv parameters (lin weight as [in, out] so forward is x @ W, plus bias)
    W1 = jax.random.normal(ks[2], (D_IN, D_HID), dtype=jnp.float32) * (1.0 / np.sqrt(D_IN))
    b1 = jnp.zeros((D_HID,), dtype=jnp.float32)
    Wmu = jax.random.normal(ks[3], (D_HID, D_LAT), dtype=jnp.float32) * (1.0 / np.sqrt(D_HID))
    bmu = jnp.zeros((D_LAT,), dtype=jnp.float32)
    Wls = jax.random.normal(ks[4], (D_HID, D_LAT), dtype=jnp.float32) * (1.0 / np.sqrt(D_HID))
    bls = jnp.zeros((D_LAT,), dtype=jnp.float32)
    return {"x": x, "edge_index": edge_index, "W1": W1, "b1": b1,
            "Wmu": Wmu, "bmu": bmu, "Wls": Wls, "bls": bls}


def gcn_conv(x, edge_index, W, b):
    """Kipf & Welling GCN layer: add self-loops, symmetric normalization,
    linear transform, scatter-add aggregation, bias."""
    n = x.shape[0]
    loops = jnp.arange(n, dtype=edge_index.dtype)
    src = jnp.concatenate([edge_index[0], loops])
    dst = jnp.concatenate([edge_index[1], loops])
    deg = jnp.zeros((n,), dtype=x.dtype).at[dst].add(1.0)
    dinv = jax.lax.rsqrt(jnp.maximum(deg, 1.0))
    norm = dinv[src] * dinv[dst]
    h = x @ W
    msg = jnp.take(h, src, axis=0) * norm[:, None]
    out = jnp.zeros((n, W.shape[1]), dtype=x.dtype).at[dst].add(msg)
    return out + b


def reference(x, edge_index, W1, b1, Wmu, bmu, Wls, bls):
    # dropout_rate = 0.0 -> identity; activation = ReLU
    hidden = jax.nn.relu(gcn_conv(x, edge_index, W1, b1))
    mu = gcn_conv(hidden, edge_index, Wmu, bmu)
    logstd = gcn_conv(hidden, edge_index, Wls, bls)
    return (mu, logstd)

if __name__ == "__main__":
    import jax
    _d = setup_inputs()
    print(jax.jit(kernel)(*tuple(_d.values())))

</pallas_src>

<mosaic_0001>
#map = affine_map<(d0, d1) -> (0, 0, 0)>
#map1 = affine_map<(d0, d1) -> (0, 0)>
module attributes {stable_mosaic.version = 14 : i64} {
  func.func @_sc_degree_body(%arg0: i32, %arg1: i32, %arg2: memref<32x80x128xi32, #tpu.memory_space<hbm>>, %arg3: memref<10112x128xf32, #tpu.memory_space<hbm>>, %arg4: memref<128x128xf32, #tpu.memory_space<hbm>>, %arg5: memref<2x10112x128xf32, #tpu.memory_space<hbm>>, %arg6: memref<80x128xi32, #tpu.memory_space<vmem>>, %arg7: memref<128x128xf32, #tpu.memory_space<vmem>>, %arg8: memref<10112x128xf32, #tpu.memory_space<vmem_shared>>) attributes {dimension_semantics = [#tpu.dimension_semantics<core_parallel>, #tpu.dimension_semantics<subcore_parallel>], iteration_bounds = array<i64: 2, 16>, scalar_prefetch = 0 : i64, scratch_operands = 3 : i64, tpu.core_type = #tpu.core_type<sc_vector_subcore>, window_params = [{transform_indices = #map}, {transform_indices = #map1}, {transform_indices = #map1}, {transform_indices = #map}]} {
    %mul3A = arith.constant 16 : i32
    %mul3A_0 = arith.muli %arg0, %mul3A : i32
    %add3A = arith.addi %mul3A_0, %arg1 : i32
    %mul3A_1 = arith.constant 632 : i32
    %mul3A_2 = arith.muli %arg1, %mul3A_1 : i32
    "tpu.region"() ({
      %run_scoped3A = tpu.sem_alloc : memref<!tpu.dma_semaphore, #tpu.memory_space<semaphore_mem>>
      %dma_start3A = arith.constant 0 : i32
      %dma_start3A_9 = tpu.memref_slice %arg8[%mul3A_2, %dma_start3A] : memref<10112x128xf32, #tpu.memory_space<vmem_shared>> -> memref<632x128xf32, #tpu.memory_space<vmem_shared>>
      %dma_start3A_10 = arith.constant 0 : i32
      %dma_start3A_11 = tpu.memref_slice %arg3[%mul3A_2, %dma_start3A_10] : memref<10112x128xf32, #tpu.memory_space<hbm>> -> memref<632x128xf32, #tpu.memory_space<hbm>>
      tpu.enqueue_dma source(%dma_start3A_11 : memref<632x128xf32, #tpu.memory_space<hbm>>) target(%dma_start3A_9 : memref<632x128xf32, #tpu.memory_space<vmem_shared>>) target_semaphore(%run_scoped3A : memref<!tpu.dma_semaphore, #tpu.memory_space<semaphore_mem>>)
      %dma_wait3A = arith.constant 0 : i32
      %dma_wait3A_12 = tpu.memref_slice %arg8[%mul3A_2, %dma_wait3A] : memref<10112x128xf32, #tpu.memory_space<vmem_shared>> -> memref<632x128xf32, #tpu.memory_space<vmem_shared>>
      %dma_wait3A_13 = arith.constant 0 : i32
      %dma_wait3A_14 = tpu.memref_slice %arg3[%mul3A_2, %dma_wait3A_13] : memref<10112x128xf32, #tpu.memory_space<hbm>> -> memref<632x128xf32, #tpu.memory_space<hbm>>
      tpu.wait_dma2 semaphore(%run_scoped3A : memref<!tpu.dma_semaphore, #tpu.memory_space<semaphore_mem>>) src(%dma_wait3A_14 : memref<632x128xf32, #tpu.memory_space<hbm>>) dst(%dma_wait3A_12 : memref<632x128xf32, #tpu.memory_space<vmem_shared>>)
      tpu.yield
    }) : () -> ()
    "tpu.region"() ({
      %run_scoped3A = tpu.sem_alloc : memref<!tpu.dma_semaphore, #tpu.memory_space<semaphore_mem>>
      %dma_start3A = arith.constant 0 : i32
      %dma_start3A_9 = arith.constant 0 : i32
      %dma_start3A_10 = tpu.memref_slice %arg2[%add3A, %dma_start3A, %dma_start3A_9] : memref<32x80x128xi32, #tpu.memory_space<hbm>> -> memref<1x80x128xi32, #tpu.memory_space<hbm>>
      %dma_start3A_11 = tpu.memref_squeeze %dma_start3A_10 : memref<1x80x128xi32, #tpu.memory_space<hbm>> -> memref<80x128xi32, #tpu.memory_space<hbm>>
      %dma_start3A_12 = arith.constant 0 : i32
      %dma_start3A_13 = arith.constant 0 : i32
      %dma_start3A_14 = tpu.memref_slice %arg2[%add3A, %dma_start3A_12, %dma_start3A_13] : memref<32x80x128xi32, #tpu.memory_space<hbm>> -> memref<1x80x128xi32, #tpu.memory_space<hbm>>
      %dma_start3A_15 = tpu.memref_squeeze %dma_start3A_14 : memref<1x80x128xi32, #tpu.memory_space<hbm>> -> memref<80x128xi32, #tpu.memory_space<hbm>>
      tpu.enqueue_dma source(%dma_start3A_15 : memref<80x128xi32, #tpu.memory_space<hbm>>) target(%arg6 : memref<80x128xi32, #tpu.memory_space<vmem>>) target_semaphore(%run_scoped3A : memref<!tpu.dma_semaphore, #tpu.memory_space<semaphore_mem>>)
      %dma_wait3A = arith.constant 0 : i32
      %dma_wait3A_16 = arith.constant 0 : i32
      %dma_wait3A_17 = tpu.memref_slice %arg2[%add3A, %dma_wait3A, %dma_wait3A_16] : memref<32x80x128xi32, #tpu.memory_space<hbm>> -> memref<1x80x128xi32, #tpu.memory_space<hbm>>
      %dma_wait3A_18 = tpu.memref_squeeze %dma_wait3A_17 : memref<1x80x128xi32, #tpu.memory_space<hbm>> -> memref<80x128xi32, #tpu.memory_space<hbm>>
      %dma_wait3A_19 = arith.constant 0 : i32
      %dma_wait3A_20 = arith.constant 0 : i32
      %dma_wait3A_21 = tpu.memref_slice %arg2[%add3A, %dma_wait3A_19, %dma_wait3A_20] : memref<32x80x128xi32, #tpu.memory_space<hbm>> -> memref<1x80x128xi32, #tpu.memory_space<hbm>>
      %dma_wait3A_22 = tpu.memref_squeeze %dma_wait3A_21 : memref<1x80x128xi32, #tpu.memory_space<hbm>> -> memref<80x128xi32, #tpu.memory_space<hbm>>
      tpu.wait_dma2 semaphore(%run_scoped3A : memref<!tpu.dma_semaphore, #tpu.memory_space<semaphore_mem>>) src(%dma_wait3A_22 : memref<80x128xi32, #tpu.memory_space<hbm>>) dst(%arg6 : memref<80x128xi32, #tpu.memory_space<vmem>>)
      tpu.yield
    }) : () -> ()
    "tpu.region"() ({
      %run_scoped3A = tpu.sem_alloc : memref<!tpu.dma_semaphore, #tpu.memory_space<semaphore_mem>>
      tpu.enqueue_dma source(%arg4 : memref<128x128xf32, #tpu.memory_space<hbm>>) target(%arg7 : memref<128x128xf32, #tpu.memory_space<vmem>>) target_semaphore(%run_scoped3A : memref<!tpu.dma_semaphore, #tpu.memory_space<semaphore_mem>>)
      tpu.wait_dma2 semaphore(%run_scoped3A : memref<!tpu.dma_semaphore, #tpu.memory_space<semaphore_mem>>) src(%arg4 : memref<128x128xf32, #tpu.memory_space<hbm>>) dst(%arg7 : memref<128x128xf32, #tpu.memory_space<vmem>>)
      tpu.yield
    }) : () -> ()
    %barrier3A = arith.constant 0 : index
    tpu.barrier barrier_id(%barrier3A)
    %scan3A = arith.constant 0 : i32
    %scan3A_3 = arith.constant 0 : i32
    %scan3A_4 = arith.constant 80 : i32
    %scan3A_5 = arith.addi %scan3A_3, %scan3A_4 : i32
    %scan3A_6 = arith.constant 1 : i32
    scf.for %scan3A_9 = %scan3A_3 to %scan3A_5 step %scan3A_6  : i32 {
      "tpu.region"() ({
        %run_scoped3A = tpu.sem_alloc : memref<!tpu.dma_semaphore, #tpu.memory_space<semaphore_mem>>
        %dma_start3A = arith.constant 0 : i32
        %dma_start3A_10 = tpu.memref_slice %arg6[%scan3A_9, %dma_start3A] : memref<80x128xi32, #tpu.memory_space<vmem>> -> memref<1x128xi32, #tpu.memory_space<vmem>>
        %dma_start3A_11 = tpu.memref_squeeze %dma_start3A_10 : memref<1x128xi32, #tpu.memory_space<vmem>> -> memref<128xi32, #tpu.memory_space<vmem>>
        %dma_start3A_12 = arith.constant 0 : i32
        %dma_start3A_13 = arith.constant 0 : i32
        %dma_start3A_14 = tpu.memref_slice %arg8[%dma_start3A_12, %dma_start3A_13] : memref<10112x128xf32, #tpu.memory_space<vmem_shared>> -> memref<10112x128xf32, #tpu.memory_space<vmem_shared>>
        tpu.enqueue_indirect_dma source(%arg7 : memref<128x128xf32, #tpu.memory_space<vmem>>) target(%dma_start3A_14 : memref<10112x128xf32, #tpu.memory_space<vmem_shared>>) offsets(%dma_start3A_11 : memref<128xi32, #tpu.memory_space<vmem>>) semaphore(%run_scoped3A : memref<!tpu.dma_semaphore, #tpu.memory_space<semaphore_mem>>) {add = true}
        %dma_wait3A = arith.constant 0 : i32
        %dma_wait3A_15 = tpu.memref_slice %arg6[%scan3A_9, %dma_wait3A] : memref<80x128xi32, #tpu.memory_space<vmem>> -> memref<1x128xi32, #tpu.memory_space<vmem>>
        %dma_wait3A_16 = tpu.memref_squeeze %dma_wait3A_15 : memref<1x128xi32, #tpu.memory_space<vmem>> -> memref<128xi32, #tpu.memory_space<vmem>>
        %dma_wait3A_17 = arith.constant 0 : i32
        %dma_wait3A_18 = arith.constant 0 : i32
        %dma_wait3A_19 = tpu.memref_slice %arg8[%dma_wait3A_17, %dma_wait3A_18] : memref<10112x128xf32, #tpu.memory_space<vmem_shared>> -> memref<10112x128xf32, #tpu.memory_space<vmem_shared>>
        tpu.wait_indirect_dma semaphore(%run_scoped3A : memref<!tpu.dma_semaphore, #tpu.memory_space<semaphore_mem>>) src(%arg7 : memref<128x128xf32, #tpu.memory_space<vmem>>) dst(%dma_wait3A_19 : memref<10112x128xf32, #tpu.memory_space<vmem_shared>>)
        tpu.yield
      }) : () -> ()
    }
    %scan3A_7 = arith.constant 80 : i32
    %barrier3A_8 = arith.constant 0 : index
    tpu.barrier barrier_id(%barrier3A_8)
    "tpu.region"() ({
      %run_scoped3A = tpu.sem_alloc : memref<!tpu.dma_semaphore, #tpu.memory_space<semaphore_mem>>
      %dma_start3A = arith.constant 0 : i32
      %dma_start3A_9 = tpu.memref_slice %arg5[%arg0, %mul3A_2, %dma_start3A] : memref<2x10112x128xf32, #tpu.memory_space<hbm>> -> memref<1x632x128xf32, #tpu.memory_space<hbm>>
      %dma_start3A_10 = tpu.memref_squeeze %dma_start3A_9 : memref<1x632x128xf32, #tpu.memory_space<hbm>> -> memref<632x128xf32, #tpu.memory_space<hbm>>
      %dma_start3A_11 = arith.constant 0 : i32
      %dma_start3A_12 = tpu.memref_slice %arg8[%mul3A_2, %dma_start3A_11] : memref<10112x128xf32, #tpu.memory_space<vmem_shared>> -> memref<632x128xf32, #tpu.memory_space<vmem_shared>>
      tpu.enqueue_dma source(%dma_start3A_12 : memref<632x128xf32, #tpu.memory_space<vmem_shared>>) target(%dma_start3A_10 : memref<632x128xf32, #tpu.memory_space<hbm>>) target_semaphore(%run_scoped3A : memref<!tpu.dma_semaphore, #tpu.memory_space<semaphore_mem>>)
      %dma_wait3A = arith.constant 0 : i32
      %dma_wait3A_13 = tpu.memref_slice %arg5[%arg0, %mul3A_2, %dma_wait3A] : memref<2x10112x128xf32, #tpu.memory_space<hbm>> -> memref<1x632x128xf32, #tpu.memory_space<hbm>>
      %dma_wait3A_14 = tpu.memref_squeeze %dma_wait3A_13 : memref<1x632x128xf32, #tpu.memory_space<hbm>> -> memref<632x128xf32, #tpu.memory_space<hbm>>
      %dma_wait3A_15 = arith.constant 0 : i32
      %dma_wait3A_16 = tpu.memref_slice %arg8[%mul3A_2, %dma_wait3A_15] : memref<10112x128xf32, #tpu.memory_space<vmem_shared>> -> memref<632x128xf32, #tpu.memory_space<vmem_shared>>
      tpu.wait_dma2 semaphore(%run_scoped3A : memref<!tpu.dma_semaphore, #tpu.memory_space<semaphore_mem>>) src(%dma_wait3A_16 : memref<632x128xf32, #tpu.memory_space<vmem_shared>>) dst(%dma_wait3A_14 : memref<632x128xf32, #tpu.memory_space<hbm>>)
      tpu.yield
    }) : () -> ()
    return
  }
}

#map = affine_map<(d0, d1) -> (0, 0)>
#map1 = affine_map<(d0, d1) -> (0, 0, 0)>
module attributes {stable_mosaic.version = 14 : i64} {
  func.func @_sc_scatter_body(%arg0: i32, %arg1: i32, %arg2: memref<10112x128xf32, #tpu.memory_space<hbm>>, %arg3: memref<32x80x128xi32, #tpu.memory_space<hbm>>, %arg4: memref<32x80x128xi32, #tpu.memory_space<hbm>>, %arg5: memref<10112x128xf32, #tpu.memory_space<hbm>>, %arg6: memref<2x10112x128xf32, #tpu.memory_space<hbm>>, %arg7: memref<32x128xi32, #tpu.memory_space<vmem>>, %arg8: memref<32x128xi32, #tpu.memory_space<vmem>>, %arg9: memref<128x128xf32, #tpu.memory_space<vmem>>, %arg10: memref<128x128xf32, #tpu.memory_space<vmem>>, %arg11: memref<10112x128xf32, #tpu.memory_space<vmem_shared>>, %arg12: memref<!tpu.dma_semaphore, #tpu.memory_space<semaphore_mem>>, %arg13: memref<!tpu.dma_semaphore, #tpu.memory_space<semaphore_mem>>, %arg14: memref<!tpu.dma_semaphore, #tpu.memory_space<semaphore_mem>>) attributes {dimension_semantics = [#tpu.dimension_semantics<core_parallel>, #tpu.dimension_semantics<subcore_parallel>], iteration_bounds = array<i64: 2, 16>, scalar_prefetch = 0 : i64, scratch_operands = 8 : i64, tpu.core_type = #tpu.core_type<sc_vector_subcore>, window_params = [{transform_indices = #map}, {transform_indices = #map1}, {transform_indices = #map1}, {transform_indices = #map}, {transform_indices = #map1}]} {
    %mul3A = arith.constant 16 : i32
    %mul3A_0 = arith.muli %arg0, %mul3A : i32
    %add3A = arith.addi %mul3A_0, %arg1 : i32
    %mul3A_1 = arith.constant 632 : i32
    %mul3A_2 = arith.muli %arg1, %mul3A_1 : i32
    "tpu.region"() ({
      %run_scoped3A = tpu.sem_alloc : memref<!tpu.dma_semaphore, #tpu.memory_space<semaphore_mem>>
      %dma_start3A = arith.constant 0 : i32
      %dma_start3A_9 = arith.constant 0 : i32
      %dma_start3A_10 = tpu.memref_slice %arg7[%dma_start3A, %dma_start3A_9] : memref<32x128xi32, #tpu.memory_space<vmem>> -> memref<16x128xi32, #tpu.memory_space<vmem>>
      %dma_start3A_11 = arith.constant 0 : i32
      %dma_start3A_12 = arith.constant 0 : i32
      %dma_start3A_13 = tpu.memref_slice %arg3[%add3A, %dma_start3A_11, %dma_start3A_12] : memref<32x80x128xi32, #tpu.memory_space<hbm>> -> memref<1x16x128xi32, #tpu.memory_space<hbm>>
      %dma_start3A_14 = tpu.memref_squeeze %dma_start3A_13 : memref<1x16x128xi32, #tpu.memory_space<hbm>> -> memref<16x128xi32, #tpu.memory_space<hbm>>
      %dma_start3A_15 = arith.constant 0 : i32
      %dma_start3A_16 = arith.constant 0 : i32
      %dma_start3A_17 = tpu.memref_slice %arg7[%dma_start3A_15, %dma_start3A_16] : memref<32x128xi32, #tpu.memory_space<vmem>> -> memref<16x128xi32, #tpu.memory_space<vmem>>
      %dma_start3A_18 = arith.constant 0 : i32
      %dma_start3A_19 = arith.constant 0 : i32
      %dma_start3A_20 = tpu.memref_slice %arg3[%add3A, %dma_start3A_18, %dma_start3A_19] : memref<32x80x128xi32, #tpu.memory_space<hbm>> -> memref<1x16x128xi32, #tpu.memory_space<hbm>>
      %dma_start3A_21 = tpu.memref_squeeze %dma_start3A_20 : memref<1x16x128xi32, #tpu.memory_space<hbm>> -> memref<16x128xi32, #tpu.memory_space<hbm>>
      tpu.enqueue_dma source(%dma_start3A_21 : memref<16x128xi32, #tpu.memory_space<hbm>>) target(%dma_start3A_17 : memref<16x128xi32, #tpu.memory_space<vmem>>) target_semaphore(%run_scoped3A : memref<!tpu.dma_semaphore, #tpu.memory_space<semaphore_mem>>)
      %dma_wait3A = arith.constant 0 : i32
      %dma_wait3A_22 = arith.constant 0 : i32
      %dma_wait3A_23 = tpu.memref_slice %arg7[%dma_wait3A, %dma_wait3A_22] : memref<32x128xi32, #tpu.memory_space<vmem>> -> memref<16x128xi32, #tpu.memory_space<vmem>>
      %dma_wait3A_24 = arith.constant 0 : i32
      %dma_wait3A_25 = arith.constant 0 : i32
      %dma_wait3A_26 = tpu.memref_slice %arg3[%add3A, %dma_wait3A_24, %dma_wait3A_25] : memref<32x80x128xi32, #tpu.memory_space<hbm>> -> memref<1x16x128xi32, #tpu.memory_space<hbm>>
      %dma_wait3A_27 = tpu.memref_squeeze %dma_wait3A_26 : memref<1x16x128xi32, #tpu.memory_space<hbm>> -> memref<16x128xi32, #tpu.memory_space<hbm>>
      %dma_wait3A_28 = arith.constant 0 : i32
      %dma_wait3A_29 = arith.constant 0 : i32
      %dma_wait3A_30 = tpu.memref_slice %arg7[%dma_wait3A_28, %dma_wait3A_29] : memref<32x128xi32, #tpu.memory_space<vmem>> -> memref<16x128xi32, #tpu.memory_space<vmem>>
      %dma_wait3A_31 = arith.constant 0 : i32
      %dma_wait3A_32 = arith.constant 0 : i32
      %dma_wait3A_33 = tpu.memref_slice %arg3[%add3A, %dma_wait3A_31, %dma_wait3A_32] : memref<32x80x128xi32, #tpu.memory_space<hbm>> -> memref<1x16x128xi32, #tpu.memory_space<hbm>>
      %dma_wait3A_34 = tpu.memref_squeeze %dma_wait3A_33 : memref<1x16x128xi32, #tpu.memory_space<hbm>> -> memref<16x128xi32, #tpu.memory_space<hbm>>
      tpu.wait_dma2 semaphore(%run_scoped3A : memref<!tpu.dma_semaphore, #tpu.memory_space<semaphore_mem>>) src(%dma_wait3A_34 : memref<16x128xi32, #tpu.memory_space<hbm>>) dst(%dma_wait3A_30 : memref<16x128xi32, #tpu.memory_space<vmem>>)
      tpu.yield
    }) : () -> ()
    "tpu.region"() ({
      %run_scoped3A = tpu.sem_alloc : memref<!tpu.dma_semaphore, #tpu.memory_space<semaphore_mem>>
      %dma_start3A = arith.constant 0 : i32
      %dma_start3A_9 = arith.constant 0 : i32
      %dma_start3A_10 = tpu.memref_slice %arg8[%dma_start3A, %dma_start3A_9] : memref<32x128xi32, #tpu.memory_space<vmem>> -> memref<16x128xi32, #tpu.memory_space<vmem>>
      %dma_start3A_11 = arith.constant 0 : i32
      %dma_start3A_12 = arith.constant 0 : i32
      %dma_start3A_13 = tpu.memref_slice %arg4[%add3A, %dma_start3A_11, %dma_start3A_12] : memref<32x80x128xi32, #tpu.memory_space<hbm>> -> memref<1x16x128xi32, #tpu.memory_space<hbm>>
      %dma_start3A_14 = tpu.memref_squeeze %dma_start3A_13 : memref<1x16x128xi32, #tpu.memory_space<hbm>> -> memref<16x128xi32, #tpu.memory_space<hbm>>
      %dma_start3A_15 = arith.constant 0 : i32
      %dma_start3A_16 = arith.constant 0 : i32
      %dma_start3A_17 = tpu.memref_slice %arg8[%dma_start3A_15, %dma_start3A_16] : memref<32x128xi32, #tpu.memory_space<vmem>> -> memref<16x128xi32, #tpu.memory_space<vmem>>
      %dma_start3A_18 = arith.constant 0 : i32
      %dma_start3A_19 = arith.constant 0 : i32
      %dma_start3A_20 = tpu.memref_slice %arg4[%add3A, %dma_start3A_18, %dma_start3A_19] : memref<32x80x128xi32, #tpu.memory_space<hbm>> -> memref<1x16x128xi32, #tpu.memory_space<hbm>>
      %dma_start3A_21 = tpu.memref_squeeze %dma_start3A_20 : memref<1x16x128xi32, #tpu.memory_space<hbm>> -> memref<16x128xi32, #tpu.memory_space<hbm>>
      tpu.enqueue_dma source(%dma_start3A_21 : memref<16x128xi32, #tpu.memory_space<hbm>>) target(%dma_start3A_17 : memref<16x128xi32, #tpu.memory_space<vmem>>) target_semaphore(%run_scoped3A : memref<!tpu.dma_semaphore, #tpu.memory_space<semaphore_mem>>)
      %dma_wait3A = arith.constant 0 : i32
      %dma_wait3A_22 = arith.constant 0 : i32
      %dma_wait3A_23 = tpu.memref_slice %arg8[%dma_wait3A, %dma_wait3A_22] : memref<32x128xi32, #tpu.memory_space<vmem>> -> memref<16x128xi32, #tpu.memory_space<vmem>>
      %dma_wait3A_24 = arith.constant 0 : i32
      %dma_wait3A_25 = arith.constant 0 : i32
      %dma_wait3A_26 = tpu.memref_slice %arg4[%add3A, %dma_wait3A_24, %dma_wait3A_25] : memref<32x80x128xi32, #tpu.memory_space<hbm>> -> memref<1x16x128xi32, #tpu.memory_space<hbm>>
      %dma_wait3A_27 = tpu.memref_squeeze %dma_wait3A_26 : memref<1x16x128xi32, #tpu.memory_space<hbm>> -> memref<16x128xi32, #tpu.memory_space<hbm>>
      %dma_wait3A_28 = arith.constant 0 : i32
      %dma_wait3A_29 = arith.constant 0 : i32
      %dma_wait3A_30 = tpu.memref_slice %arg8[%dma_wait3A_28, %dma_wait3A_29] : memref<32x128xi32, #tpu.memory_space<vmem>> -> memref<16x128xi32, #tpu.memory_space<vmem>>
      %dma_wait3A_31 = arith.constant 0 : i32
      %dma_wait3A_32 = arith.constant 0 : i32
      %dma_wait3A_33 = tpu.memref_slice %arg4[%add3A, %dma_wait3A_31, %dma_wait3A_32] : memref<32x80x128xi32, #tpu.memory_space<hbm>> -> memref<1x16x128xi32, #tpu.memory_space<hbm>>
      %dma_wait3A_34 = tpu.memref_squeeze %dma_wait3A_33 : memref<1x16x128xi32, #tpu.memory_space<hbm>> -> memref<16x128xi32, #tpu.memory_space<hbm>>
      tpu.wait_dma2 semaphore(%run_scoped3A : memref<!tpu.dma_semaphore, #tpu.memory_space<semaphore_mem>>) src(%dma_wait3A_34 : memref<16x128xi32, #tpu.memory_space<hbm>>) dst(%dma_wait3A_30 : memref<16x128xi32, #tpu.memory_space<vmem>>)
      tpu.yield
    }) : () -> ()
    "tpu.region"() ({
      %run_scoped3A = tpu.sem_alloc : memref<!tpu.dma_semaphore, #tpu.memory_space<semaphore_mem>>
      %dma_start3A = arith.constant 0 : i32
      %dma_start3A_9 = tpu.memref_slice %arg11[%mul3A_2, %dma_start3A] : memref<10112x128xf32, #tpu.memory_space<vmem_shared>> -> memref<632x128xf32, #tpu.memory_space<vmem_shared>>
      %dma_start3A_10 = arith.constant 0 : i32
      %dma_start3A_11 = tpu.memref_slice %arg5[%mul3A_2, %dma_start3A_10] : memref<10112x128xf32, #tpu.memory_space<hbm>> -> memref<632x128xf32, #tpu.memory_space<hbm>>
      tpu.enqueue_dma source(%dma_start3A_11 : memref<632x128xf32, #tpu.memory_space<hbm>>) target(%dma_start3A_9 : memref<632x128xf32, #tpu.memory_space<vmem_shared>>) target_semaphore(%run_scoped3A : memref<!tpu.dma_semaphore, #tpu.memory_space<semaphore_mem>>)
      %dma_wait3A = arith.constant 0 : i32
      %dma_wait3A_12 = tpu.memref_slice %arg11[%mul3A_2, %dma_wait3A] : memref<10112x128xf32, #tpu.memory_space<vmem_shared>> -> memref<632x128xf32, #tpu.memory_space<vmem_shared>>
      %dma_wait3A_13 = arith.constant 0 : i32
      %dma_wait3A_14 = tpu.memref_slice %arg5[%mul3A_2, %dma_wait3A_13] : memref<10112x128xf32, #tpu.memory_space<hbm>> -> memref<632x128xf32, #tpu.memory_space<hbm>>
      tpu.wait_dma2 semaphore(%run_scoped3A : memref<!tpu.dma_semaphore, #tpu.memory_space<semaphore_mem>>) src(%dma_wait3A_14 : memref<632x128xf32, #tpu.memory_space<hbm>>) dst(%dma_wait3A_12 : memref<632x128xf32, #tpu.memory_space<vmem_shared>>)
      tpu.yield
    }) : () -> ()
    %barrier3A = arith.constant 0 : index
    tpu.barrier barrier_id(%barrier3A)
    %scan3A = arith.constant 0 : i32
    %scan3A_3 = arith.constant 0 : i32
    %scan3A_4 = arith.constant 5 : i32
    %scan3A_5 = arith.addi %scan3A_3, %scan3A_4 : i32
    %scan3A_6 = arith.constant 1 : i32
    scf.for %scan3A_9 = %scan3A_3 to %scan3A_5 step %scan3A_6  : i32 {
      %jit3A = arith.constant 2 : i32
      %eq3A = arith.constant 0 : i32
      %eq3A_10 = arith.cmpi eq, %jit3A, %eq3A : i32
      %jit3A_11 = arith.constant 1 : i32
      %select_n3A = arith.select %eq3A_10, %jit3A_11, %jit3A : i32
      %rem3A = arith.remsi %scan3A_9, %select_n3A : i32
      %ne3A = arith.constant 0 : i32
      %ne3A_12 = arith.cmpi ne, %rem3A, %ne3A : i32
      %lt3A = arith.constant 0 : i32
      %lt3A_13 = arith.cmpi slt, %rem3A, %lt3A : i32
      %lt3A_14 = arith.constant 0 : i32
      %lt3A_15 = arith.cmpi slt, %select_n3A, %lt3A_14 : i32
      %ne3A_16 = arith.xori %lt3A_13, %lt3A_15 : i1
      %and3A = arith.andi %ne3A_16, %ne3A_12 : i1
      %add3A_17 = arith.addi %rem3A, %select_n3A : i32
      %select_n3A_18 = arith.select %and3A, %add3A_17, %rem3A : i32
      %mul3A_19 = arith.constant 16 : i32
      %mul3A_20 = arith.muli %select_n3A_18, %mul3A_19 : i32
      %add3A_21 = arith.constant 1 : i32
      %add3A_22 = arith.addi %scan3A_9, %add3A_21 : i32
      %jit3A_23 = arith.constant 2 : i32
      %eq3A_24 = arith.constant 0 : i32
      %eq3A_25 = arith.cmpi eq, %jit3A_23, %eq3A_24 : i32
      %jit3A_26 = arith.constant 1 : i32
      %select_n3A_27 = arith.select %eq3A_25, %jit3A_26, %jit3A_23 : i32
      %rem3A_28 = arith.remsi %add3A_22, %select_n3A_27 : i32
      %ne3A_29 = arith.constant 0 : i32
      %ne3A_30 = arith.cmpi ne, %rem3A_28, %ne3A_29 : i32
      %lt3A_31 = arith.constant 0 : i32
      %lt3A_32 = arith.cmpi slt, %rem3A_28, %lt3A_31 : i32
      %lt3A_33 = arith.constant 0 : i32
      %lt3A_34 = arith.cmpi slt, %select_n3A_27, %lt3A_33 : i32
      %ne3A_35 = arith.xori %lt3A_32, %lt3A_34 : i1
      %and3A_36 = arith.andi %ne3A_35, %ne3A_30 : i1
      %add3A_37 = arith.addi %rem3A_28, %select_n3A_27 : i32
      %select_n3A_38 = arith.select %and3A_36, %add3A_37, %rem3A_28 : i32
      %mul3A_39 = arith.constant 16 : i32
      %mul3A_40 = arith.muli %select_n3A_38, %mul3A_39 : i32
      %gt3A = arith.constant 0 : i32
      %gt3A_41 = arith.cmpi sgt, %scan3A_9, %gt3A : i32
      %convert_element_type3A = arith.extui %gt3A_41 : i1 to i32
      %cond3A = arith.constant 0 : i32
      %cond3A_42 = arith.cmpi ne, %convert_element_type3A, %cond3A : i32
      scf.if %cond3A_42 {
        %mul3A_97 = arith.constant 16 : i32
        %mul3A_98 = arith.muli %scan3A_9, %mul3A_97 : i32
        %dma_wait3A_99 = arith.constant 0 : i32
        %dma_wait3A_100 = tpu.memref_slice %arg7[%mul3A_20, %dma_wait3A_99] : memref<32x128xi32, #tpu.memory_space<vmem>> -> memref<16x128xi32, #tpu.memory_space<vmem>>
        %dma_wait3A_101 = arith.constant 0 : i32
        %dma_wait3A_102 = tpu.memref_slice %arg3[%add3A, %mul3A_98, %dma_wait3A_101] : memref<32x80x128xi32, #tpu.memory_space<hbm>> -> memref<1x16x128xi32, #tpu.memory_space<hbm>>
        %dma_wait3A_103 = tpu.memref_squeeze %dma_wait3A_102 : memref<1x16x128xi32, #tpu.memory_space<hbm>> -> memref<16x128xi32, #tpu.memory_space<hbm>>
        %dma_wait3A_104 = arith.constant 0 : i32
        %dma_wait3A_105 = tpu.memref_slice %arg7[%mul3A_20, %dma_wait3A_104] : memref<32x128xi32, #tpu.memory_space<vmem>> -> memref<16x128xi32, #tpu.memory_space<vmem>>
        %dma_wait3A_106 = arith.constant 0 : i32
        %dma_wait3A_107 = tpu.memref_slice %arg3[%add3A, %mul3A_98, %dma_wait3A_106] : memref<32x80x128xi32, #tpu.memory_space<hbm>> -> memref<1x16x128xi32, #tpu.memory_space<hbm>>
        %dma_wait3A_108 = tpu.memref_squeeze %dma_wait3A_107 : memref<1x16x128xi32, #tpu.memory_space<hbm>> -> memref<16x128xi32, #tpu.memory_space<hbm>>
        tpu.wait_dma2 semaphore(%arg14 : memref<!tpu.dma_semaphore, #tpu.memory_space<semaphore_mem>>) src(%dma_wait3A_108 : memref<16x128xi32, #tpu.memory_space<hbm>>) dst(%dma_wait3A_105 : memref<16x128xi32, #tpu.memory_space<vmem>>)
        %mul3A_109 = arith.constant 16 : i32
        %mul3A_110 = arith.muli %scan3A_9, %mul3A_109 : i32
        %dma_wait3A_111 = arith.constant 0 : i32
        %dma_wait3A_112 = tpu.memref_slice %arg8[%mul3A_20, %dma_wait3A_111] : memref<32x128xi32, #tpu.memory_space<vmem>> -> memref<16x128xi32, #tpu.memory_space<vmem>>
        %dma_wait3A_113 = arith.constant 0 : i32
        %dma_wait3A_114 = tpu.memref_slice %arg4[%add3A, %mul3A_110, %dma_wait3A_113] : memref<32x80x128xi32, #tpu.memory_space<hbm>> -> memref<1x16x128xi32, #tpu.memory_space<hbm>>
        %dma_wait3A_115 = tpu.memref_squeeze %dma_wait3A_114 : memref<1x16x128xi32, #tpu.memory_space<hbm>> -> memref<16x128xi32, #tpu.memory_space<hbm>>
        %dma_wait3A_116 = arith.constant 0 : i32
        %dma_wait3A_117 = tpu.memref_slice %arg8[%mul3A_20, %dma_wait3A_116] : memref<32x128xi32, #tpu.memory_space<vmem>> -> memref<16x128xi32, #tpu.memory_space<vmem>>
        %dma_wait3A_118 = arith.constant 0 : i32
        %dma_wait3A_119 = tpu.memref_slice %arg4[%add3A, %mul3A_110, %dma_wait3A_118] : memref<32x80x128xi32, #tpu.memory_space<hbm>> -> memref<1x16x128xi32, #tpu.memory_space<hbm>>
        %dma_wait3A_120 = tpu.memref_squeeze %dma_wait3A_119 : memref<1x16x128xi32, #tpu.memory_space<hbm>> -> memref<16x128xi32, #tpu.memory_space<hbm>>
        tpu.wait_dma2 semaphore(%arg14 : memref<!tpu.dma_semaphore, #tpu.memory_space<semaphore_mem>>) src(%dma_wait3A_120 : memref<16x128xi32, #tpu.memory_space<hbm>>) dst(%dma_wait3A_117 : memref<16x128xi32, #tpu.memory_space<vmem>>)
      } else {
      }
      %add3A_43 = arith.constant 1 : i32
      %add3A_44 = arith.addi %scan3A_9, %add3A_43 : i32
      %lt3A_45 = arith.constant 5 : i32
      %lt3A_46 = arith.cmpi slt, %add3A_44, %lt3A_45 : i32
      %convert_element_type3A_47 = arith.extui %lt3A_46 : i1 to i32
      %cond3A_48 = arith.constant 0 : i32
      %cond3A_49 = arith.cmpi ne, %convert_element_type3A_47, %cond3A_48 : i32
      scf.if %cond3A_49 {
        %add3A_97 = arith.constant 1 : i32
        %add3A_98 = arith.addi %scan3A_9, %add3A_97 : i32
        %mul3A_99 = arith.constant 16 : i32
        %mul3A_100 = arith.muli %add3A_98, %mul3A_99 : i32
        %dma_start3A_101 = arith.constant 0 : i32
        %dma_start3A_102 = tpu.memref_slice %arg7[%mul3A_40, %dma_start3A_101] : memref<32x128xi32, #tpu.memory_space<vmem>> -> memref<16x128xi32, #tpu.memory_space<vmem>>
        %dma_start3A_103 = arith.constant 0 : i32
        %dma_start3A_104 = tpu.memref_slice %arg3[%add3A, %mul3A_100, %dma_start3A_103] : memref<32x80x128xi32, #tpu.memory_space<hbm>> -> memref<1x16x128xi32, #tpu.memory_space<hbm>>
        %dma_start3A_105 = tpu.memref_squeeze %dma_start3A_104 : memref<1x16x128xi32, #tpu.memory_space<hbm>> -> memref<16x128xi32, #tpu.memory_space<hbm>>
        %dma_start3A_106 = arith.constant 0 : i32
        %dma_start3A_107 = tpu.memref_slice %arg7[%mul3A_40, %dma_start3A_106] : memref<32x128xi32, #tpu.memory_space<vmem>> -> memref<16x128xi32, #tpu.memory_space<vmem>>
        %dma_start3A_108 = arith.constant 0 : i32
        %dma_start3A_109 = tpu.memref_slice %arg3[%add3A, %mul3A_100, %dma_start3A_108] : memref<32x80x128xi32, #tpu.memory_space<hbm>> -> memref<1x16x128xi32, #tpu.memory_space<hbm>>
        %dma_start3A_110 = tpu.memref_squeeze %dma_start3A_109 : memref<1x16x128xi32, #tpu.memory_space<hbm>> -> memref<16x128xi32, #tpu.memory_space<hbm>>
        tpu.enqueue_dma source(%dma_start3A_110 : memref<16x128xi32, #tpu.memory_space<hbm>>) target(%dma_start3A_107 : memref<16x128xi32, #tpu.memory_space<vmem>>) target_semaphore(%arg14 : memref<!tpu.dma_semaphore, #tpu.memory_space<semaphore_mem>>)
        %add3A_111 = arith.constant 1 : i32
        %add3A_112 = arith.addi %scan3A_9, %add3A_111 : i32
        %mul3A_113 = arith.constant 16 : i32
        %mul3A_114 = arith.muli %add3A_112, %mul3A_113 : i32
        %dma_start3A_115 = arith.constant 0 : i32
        %dma_start3A_116 = tpu.memref_slice %arg8[%mul3A_40, %dma_start3A_115] : memref<32x128xi32, #tpu.memory_space<vmem>> -> memref<16x128xi32, #tpu.memory_space<vmem>>
        %dma_start3A_117 = arith.constant 0 : i32
        %dma_start3A_118 = tpu.memref_slice %arg4[%add3A, %mul3A_114, %dma_start3A_117] : memref<32x80x128xi32, #tpu.memory_space<hbm>> -> memref<1x16x128xi32, #tpu.memory_space<hbm>>
        %dma_start3A_119 = tpu.memref_squeeze %dma_start3A_118 : memref<1x16x128xi32, #tpu.memory_space<hbm>> -> memref<16x128xi32, #tpu.memory_space<hbm>>
        %dma_start3A_120 = arith.constant 0 : i32
        %dma_start3A_121 = tpu.memref_slice %arg8[%mul3A_40, %dma_start3A_120] : memref<32x128xi32, #tpu.memory_space<vmem>> -> memref<16x128xi32, #tpu.memory_space<vmem>>
        %dma_start3A_122 = arith.constant 0 : i32
        %dma_start3A_123 = tpu.memref_slice %arg4[%add3A, %mul3A_114, %dma_start3A_122] : memref<32x80x128xi32, #tpu.memory_space<hbm>> -> memref<1x16x128xi32, #tpu.memory_space<hbm>>
        %dma_start3A_124 = tpu.memref_squeeze %dma_start3A_123 : memref<1x16x128xi32, #tpu.memory_space<hbm>> -> memref<16x128xi32, #tpu.memory_space<hbm>>
        tpu.enqueue_dma source(%dma_start3A_124 : memref<16x128xi32, #tpu.memory_space<hbm>>) target(%dma_start3A_121 : memref<16x128xi32, #tpu.memory_space<vmem>>) target_semaphore(%arg14 : memref<!tpu.dma_semaphore, #tpu.memory_space<semaphore_mem>>)
      } else {
      }
      %dma_start3A = arith.constant 0 : i32
      %dma_start3A_50 = tpu.memref_slice %arg7[%mul3A_20, %dma_start3A] : memref<32x128xi32, #tpu.memory_space<vmem>> -> memref<1x128xi32, #tpu.memory_space<vmem>>
      %dma_start3A_51 = tpu.memref_squeeze %dma_start3A_50 : memref<1x128xi32, #tpu.memory_space<vmem>> -> memref<128xi32, #tpu.memory_space<vmem>>
      %dma_start3A_52 = arith.constant 0 : i32
      %dma_start3A_53 = arith.constant 0 : i32
      %dma_start3A_54 = tpu.memref_slice %arg2[%dma_start3A_52, %dma_start3A_53] : memref<10112x128xf32, #tpu.memory_space<hbm>> -> memref<10112x128xf32, #tpu.memory_space<hbm>>
      tpu.enqueue_indirect_dma source(%dma_start3A_54 : memref<10112x128xf32, #tpu.memory_space<hbm>>) target(%arg9 : memref<128x128xf32, #tpu.memory_space<vmem>>) offsets(%dma_start3A_51 : memref<128xi32, #tpu.memory_space<vmem>>) semaphore(%arg12 : memref<!tpu.dma_semaphore, #tpu.memory_space<semaphore_mem>>)
      %scan3A_55 = arith.constant 0 : i32
      %scan3A_56 = arith.constant 0 : i32
      %scan3A_57 = arith.constant 7 : i32
      %scan3A_58 = arith.addi %scan3A_56, %scan3A_57 : i32
      %scan3A_59 = arith.constant 1 : i32
      scf.for %scan3A_97 = %scan3A_56 to %scan3A_58 step %scan3A_59  : i32 {
        %mul3A_98 = arith.constant 2 : i32
        %mul3A_99 = arith.muli %mul3A_98, %scan3A_97 : i32
        %add3A_100 = arith.addi %mul3A_20, %mul3A_99 : i32
        %add3A_101 = arith.constant 1 : i32
        %add3A_102 = arith.addi %add3A_100, %add3A_101 : i32
        %dma_start3A_103 = arith.constant 0 : i32
        %dma_start3A_104 = tpu.memref_slice %arg7[%add3A_102, %dma_start3A_103] : memref<32x128xi32, #tpu.memory_space<vmem>> -> memref<1x128xi32, #tpu.memory_space<vmem>>
        %dma_start3A_105 = tpu.memref_squeeze %dma_start3A_104 : memref<1x128xi32, #tpu.memory_space<vmem>> -> memref<128xi32, #tpu.memory_space<vmem>>
        %dma_start3A_106 = arith.constant 0 : i32
        %dma_start3A_107 = arith.constant 0 : i32
        %dma_start3A_108 = tpu.memref_slice %arg2[%dma_start3A_106, %dma_start3A_107] : memref<10112x128xf32, #tpu.memory_space<hbm>> -> memref<10112x128xf32, #tpu.memory_space<hbm>>
        tpu.enqueue_indirect_dma source(%dma_start3A_108 : memref<10112x128xf32, #tpu.memory_space<hbm>>) target(%arg10 : memref<128x128xf32, #tpu.memory_space<vmem>>) offsets(%dma_start3A_105 : memref<128xi32, #tpu.memory_space<vmem>>) semaphore(%arg13 : memref<!tpu.dma_semaphore, #tpu.memory_space<semaphore_mem>>)
        %dma_wait3A_109 = arith.constant 0 : i32
        %dma_wait3A_110 = tpu.memref_slice %arg7[%add3A_100, %dma_wait3A_109] : memref<32x128xi32, #tpu.memory_space<vmem>> -> memref<1x128xi32, #tpu.memory_space<vmem>>
        %dma_wait3A_111 = tpu.memref_squeeze %dma_wait3A_110 : memref<1x128xi32, #tpu.memory_space<vmem>> -> memref<128xi32, #tpu.memory_space<vmem>>
        %dma_wait3A_112 = arith.constant 0 : i32
        %dma_wait3A_113 = arith.constant 0 : i32
        %dma_wait3A_114 = tpu.memref_slice %arg2[%dma_wait3A_112, %dma_wait3A_113] : memref<10112x128xf32, #tpu.memory_space<hbm>> -> memref<10112x128xf32, #tpu.memory_space<hbm>>
        tpu.wait_indirect_dma semaphore(%arg12 : memref<!tpu.dma_semaphore, #tpu.memory_space<semaphore_mem>>) src(%dma_wait3A_114 : memref<10112x128xf32, #tpu.memory_space<hbm>>) dst(%arg9 : memref<128x128xf32, #tpu.memory_space<vmem>>)
        "tpu.region"() ({
          %run_scoped3A = tpu.sem_alloc : memref<!tpu.dma_semaphore, #tpu.memory_space<semaphore_mem>>
          %dma_start3A_133 = arith.constant 0 : i32
          %dma_start3A_134 = tpu.memref_slice %arg8[%add3A_100, %dma_start3A_133] : memref<32x128xi32, #tpu.memory_space<vmem>> -> memref<1x128xi32, #tpu.memory_space<vmem>>
          %dma_start3A_135 = tpu.memref_squeeze %dma_start3A_134 : memref<1x128xi32, #tpu.memory_space<vmem>> -> memref<128xi32, #tpu.memory_space<vmem>>
          %dma_start3A_136 = arith.constant 0 : i32
          %dma_start3A_137 = arith.constant 0 : i32
          %dma_start3A_138 = tpu.memref_slice %arg11[%dma_start3A_136, %dma_start3A_137] : memref<10112x128xf32, #tpu.memory_space<vmem_shared>> -> memref<10112x128xf32, #tpu.memory_space<vmem_shared>>
          tpu.enqueue_indirect_dma source(%arg9 : memref<128x128xf32, #tpu.memory_space<vmem>>) target(%dma_start3A_138 : memref<10112x128xf32, #tpu.memory_space<vmem_shared>>) offsets(%dma_start3A_135 : memref<128xi32, #tpu.memory_space<vmem>>) semaphore(%run_scoped3A : memref<!tpu.dma_semaphore, #tpu.memory_space<semaphore_mem>>) {add = true}
          %dma_wait3A_139 = arith.constant 0 : i32
          %dma_wait3A_140 = tpu.memref_slice %arg8[%add3A_100, %dma_wait3A_139] : memref<32x128xi32, #tpu.memory_space<vmem>> -> memref<1x128xi32, #tpu.memory_space<vmem>>
          %dma_wait3A_141 = tpu.memref_squeeze %dma_wait3A_140 : memref<1x128xi32, #tpu.memory_space<vmem>> -> memref<128xi32, #tpu.memory_space<vmem>>
          %dma_wait3A_142 = arith.constant 0 : i32
          %dma_wait3A_143 = arith.constant 0 : i32
          %dma_wait3A_144 = tpu.memref_slice %arg11[%dma_wait3A_142, %dma_wait3A_143] : memref<10112x128xf32, #tpu.memory_space<vmem_shared>> -> memref<10112x128xf32, #tpu.memory_space<vmem_shared>>
          tpu.wait_indirect_dma semaphore(%run_scoped3A : memref<!tpu.dma_semaphore, #tpu.memory_space<semaphore_mem>>) src(%arg9 : memref<128x128xf32, #tpu.memory_space<vmem>>) dst(%dma_wait3A_144 : memref<10112x128xf32, #tpu.memory_space<vmem_shared>>)
          tpu.yield
        }) : () -> ()
        %add3A_115 = arith.constant 2 : i32
        %add3A_116 = arith.addi %add3A_100, %add3A_115 : i32
        %dma_start3A_117 = arith.constant 0 : i32
        %dma_start3A_118 = tpu.memref_slice %arg7[%add3A_116, %dma_start3A_117] : memref<32x128xi32, #tpu.memory_space<vmem>> -> memref<1x128xi32, #tpu.memory_space<vmem>>
        %dma_start3A_119 = tpu.memref_squeeze %dma_start3A_118 : memref<1x128xi32, #tpu.memory_space<vmem>> -> memref<128xi32, #tpu.memory_space<vmem>>
        %dma_start3A_120 = arith.constant 0 : i32
        %dma_start3A_121 = arith.constant 0 : i32
        %dma_start3A_122 = tpu.memref_slice %arg2[%dma_start3A_120, %dma_start3A_121] : memref<10112x128xf32, #tpu.memory_space<hbm>> -> memref<10112x128xf32, #tpu.memory_space<hbm>>
        tpu.enqueue_indirect_dma source(%dma_start3A_122 : memref<10112x128xf32, #tpu.memory_space<hbm>>) target(%arg9 : memref<128x128xf32, #tpu.memory_space<vmem>>) offsets(%dma_start3A_119 : memref<128xi32, #tpu.memory_space<vmem>>) semaphore(%arg12 : memref<!tpu.dma_semaphore, #tpu.memory_space<semaphore_mem>>)
        %add3A_123 = arith.constant 1 : i32
        %add3A_124 = arith.addi %add3A_100, %add3A_123 : i32
        %dma_wait3A_125 = arith.constant 0 : i32
        %dma_wait3A_126 = tpu.memref_slice %arg7[%add3A_124, %dma_wait3A_125] : memref<32x128xi32, #tpu.memory_space<vmem>> -> memref<1x128xi32, #tpu.memory_space<vmem>>
        %dma_wait3A_127 = tpu.memref_squeeze %dma_wait3A_126 : memref<1x128xi32, #tpu.memory_space<vmem>> -> memref<128xi32, #tpu.memory_space<vmem>>
        %dma_wait3A_128 = arith.constant 0 : i32
        %dma_wait3A_129 = arith.constant 0 : i32
        %dma_wait3A_130 = tpu.memref_slice %arg2[%dma_wait3A_128, %dma_wait3A_129] : memref<10112x128xf32, #tpu.memory_space<hbm>> -> memref<10112x128xf32, #tpu.memory_space<hbm>>
        tpu.wait_indirect_dma semaphore(%arg13 : memref<!tpu.dma_semaphore, #tpu.memory_space<semaphore_mem>>) src(%dma_wait3A_130 : memref<10112x128xf32, #tpu.memory_space<hbm>>) dst(%arg10 : memref<128x128xf32, #tpu.memory_space<vmem>>)
        %add3A_131 = arith.constant 1 : i32
        %add3A_132 = arith.addi %add3A_100, %add3A_131 : i32
        "tpu.region"() ({
          %run_scoped3A = tpu.sem_alloc : memref<!tpu.dma_semaphore, #tpu.memory_space<semaphore_mem>>
          %dma_start3A_133 = arith.constant 0 : i32
          %dma_start3A_134 = tpu.memref_slice %arg8[%add3A_132, %dma_start3A_133] : memref<32x128xi32, #tpu.memory_space<vmem>> -> memref<1x128xi32, #tpu.memory_space<vmem>>
          %dma_start3A_135 = tpu.memref_squeeze %dma_start3A_134 : memref<1x128xi32, #tpu.memory_space<vmem>> -> memref<128xi32, #tpu.memory_space<vmem>>
          %dma_start3A_136 = arith.constant 0 : i32
          %dma_start3A_137 = arith.constant 0 : i32
          %dma_start3A_138 = tpu.memref_slice %arg11[%dma_start3A_136, %dma_start3A_137] : memref<10112x128xf32, #tpu.memory_space<vmem_shared>> -> memref<10112x128xf32, #tpu.memory_space<vmem_shared>>
          tpu.enqueue_indirect_dma source(%arg10 : memref<128x128xf32, #tpu.memory_space<vmem>>) target(%dma_start3A_138 : memref<10112x128xf32, #tpu.memory_space<vmem_shared>>) offsets(%dma_start3A_135 : memref<128xi32, #tpu.memory_space<vmem>>) semaphore(%run_scoped3A : memref<!tpu.dma_semaphore, #tpu.memory_space<semaphore_mem>>) {add = true}
          %dma_wait3A_139 = arith.constant 0 : i32
          %dma_wait3A_140 = tpu.memref_slice %arg8[%add3A_132, %dma_wait3A_139] : memref<32x128xi32, #tpu.memory_space<vmem>> -> memref<1x128xi32, #tpu.memory_space<vmem>>
          %dma_wait3A_141 = tpu.memref_squeeze %dma_wait3A_140 : memref<1x128xi32, #tpu.memory_space<vmem>> -> memref<128xi32, #tpu.memory_space<vmem>>
          %dma_wait3A_142 = arith.constant 0 : i32
          %dma_wait3A_143 = arith.constant 0 : i32
          %dma_wait3A_144 = tpu.memref_slice %arg11[%dma_wait3A_142, %dma_wait3A_143] : memref<10112x128xf32, #tpu.memory_space<vmem_shared>> -> memref<10112x128xf32, #tpu.memory_space<vmem_shared>>
          tpu.wait_indirect_dma semaphore(%run_scoped3A : memref<!tpu.dma_semaphore, #tpu.memory_space<semaphore_mem>>) src(%arg10 : memref<128x128xf32, #tpu.memory_space<vmem>>) dst(%dma_wait3A_144 : memref<10112x128xf32, #tpu.memory_space<vmem_shared>>)
          tpu.yield
        }) : () -> ()
      }
      %scan3A_60 = arith.constant 7 : i32
      %add3A_61 = arith.constant 16 : i32
      %add3A_62 = arith.addi %mul3A_20, %add3A_61 : i32
      %sub3A = arith.constant 1 : i32
      %sub3A_63 = arith.subi %add3A_62, %sub3A : i32
      %dma_start3A_64 = arith.constant 0 : i32
      %dma_start3A_65 = tpu.memref_slice %arg7[%sub3A_63, %dma_start3A_64] : memref<32x128xi32, #tpu.memory_space<vmem>> -> memref<1x128xi32, #tpu.memory_space<vmem>>
      %dma_start3A_66 = tpu.memref_squeeze %dma_start3A_65 : memref<1x128xi32, #tpu.memory_space<vmem>> -> memref<128xi32, #tpu.memory_space<vmem>>
      %dma_start3A_67 = arith.constant 0 : i32
      %dma_start3A_68 = arith.constant 0 : i32
      %dma_start3A_69 = tpu.memref_slice %arg2[%dma_start3A_67, %dma_start3A_68] : memref<10112x128xf32, #tpu.memory_space<hbm>> -> memref<10112x128xf32, #tpu.memory_space<hbm>>
      tpu.enqueue_indirect_dma source(%dma_start3A_69 : memref<10112x128xf32, #tpu.memory_space<hbm>>) target(%arg10 : memref<128x128xf32, #tpu.memory_space<vmem>>) offsets(%dma_start3A_66 : memref<128xi32, #tpu.memory_space<vmem>>) semaphore(%arg13 : memref<!tpu.dma_semaphore, #tpu.memory_space<semaphore_mem>>)
      %add3A_70 = arith.constant 16 : i32
      %add3A_71 = arith.addi %mul3A_20, %add3A_70 : i32
      %sub3A_72 = arith.constant 2 : i32
      %sub3A_73 = arith.subi %add3A_71, %sub3A_72 : i32
      %dma_wait3A = arith.constant 0 : i32
      %dma_wait3A_74 = tpu.memref_slice %arg7[%sub3A_73, %dma_wait3A] : memref<32x128xi32, #tpu.memory_space<vmem>> -> memref<1x128xi32, #tpu.memory_space<vmem>>
      %dma_wait3A_75 = tpu.memref_squeeze %dma_wait3A_74 : memref<1x128xi32, #tpu.memory_space<vmem>> -> memref<128xi32, #tpu.memory_space<vmem>>
      %dma_wait3A_76 = arith.constant 0 : i32
      %dma_wait3A_77 = arith.constant 0 : i32
      %dma_wait3A_78 = tpu.memref_slice %arg2[%dma_wait3A_76, %dma_wait3A_77] : memref<10112x128xf32, #tpu.memory_space<hbm>> -> memref<10112x128xf32, #tpu.memory_space<hbm>>
      tpu.wait_indirect_dma semaphore(%arg12 : memref<!tpu.dma_semaphore, #tpu.memory_space<semaphore_mem>>) src(%dma_wait3A_78 : memref<10112x128xf32, #tpu.memory_space<hbm>>) dst(%arg9 : memref<128x128xf32, #tpu.memory_space<vmem>>)
      %add3A_79 = arith.constant 16 : i32
      %add3A_80 = arith.addi %mul3A_20, %add3A_79 : i32
      %sub3A_81 = arith.constant 2 : i32
      %sub3A_82 = arith.subi %add3A_80, %sub3A_81 : i32
      "tpu.region"() ({
        %run_scoped3A = tpu.sem_alloc : memref<!tpu.dma_semaphore, #tpu.memory_space<semaphore_mem>>
        %dma_start3A_97 = arith.constant 0 : i32
        %dma_start3A_98 = tpu.memref_slice %arg8[%sub3A_82, %dma_start3A_97] : memref<32x128xi32, #tpu.memory_space<vmem>> -> memref<1x128xi32, #tpu.memory_space<vmem>>
        %dma_start3A_99 = tpu.memref_squeeze %dma_start3A_98 : memref<1x128xi32, #tpu.memory_space<vmem>> -> memref<128xi32, #tpu.memory_space<vmem>>
        %dma_start3A_100 = arith.constant 0 : i32
        %dma_start3A_101 = arith.constant 0 : i32
        %dma_start3A_102 = tpu.memref_slice %arg11[%dma_start3A_100, %dma_start3A_101] : memref<10112x128xf32, #tpu.memory_space<vmem_shared>> -> memref<10112x128xf32, #tpu.memory_space<vmem_shared>>
        tpu.enqueue_indirect_dma source(%arg9 : memref<128x128xf32, #tpu.memory_space<vmem>>) target(%dma_start3A_102 : memref<10112x128xf32, #tpu.memory_space<vmem_shared>>) offsets(%dma_start3A_99 : memref<128xi32, #tpu.memory_space<vmem>>) semaphore(%run_scoped3A : memref<!tpu.dma_semaphore, #tpu.memory_space<semaphore_mem>>) {add = true}
        %dma_wait3A_103 = arith.constant 0 : i32
        %dma_wait3A_104 = tpu.memref_slice %arg8[%sub3A_82, %dma_wait3A_103] : memref<32x128xi32, #tpu.memory_space<vmem>> -> memref<1x128xi32, #tpu.memory_space<vmem>>
        %dma_wait3A_105 = tpu.memref_squeeze %dma_wait3A_104 : memref<1x128xi32, #tpu.memory_space<vmem>> -> memref<128xi32, #tpu.memory_space<vmem>>
        %dma_wait3A_106 = arith.constant 0 : i32
        %dma_wait3A_107 = arith.constant 0 : i32
        %dma_wait3A_108 = tpu.memref_slice %arg11[%dma_wait3A_106, %dma_wait3A_107] : memref<10112x128xf32, #tpu.memory_space<vmem_shared>> -> memref<10112x128xf32, #tpu.memory_space<vmem_shared>>
        tpu.wait_indirect_dma semaphore(%run_scoped3A : memref<!tpu.dma_semaphore, #tpu.memory_space<semaphore_mem>>) src(%arg9 : memref<128x128xf32, #tpu.memory_space<vmem>>) dst(%dma_wait3A_108 : memref<10112x128xf32, #tpu.memory_space<vmem_shared>>)
        tpu.yield
      }) : () -> ()
      %add3A_83 = arith.constant 16 : i32
      %add3A_84 = arith.addi %mul3A_20, %add3A_83 : i32
      %sub3A_85 = arith.constant 1 : i32
      %sub3A_86 = arith.subi %add3A_84, %sub3A_85 : i32
      %dma_wait3A_87 = arith.constant 0 : i32
      %dma_wait3A_88 = tpu.memref_slice %arg7[%sub3A_86, %dma_wait3A_87] : memref<32x128xi32, #tpu.memory_space<vmem>> -> memref<1x128xi32, #tpu.memory_space<vmem>>
      %dma_wait3A_89 = tpu.memref_squeeze %dma_wait3A_88 : memref<1x128xi32, #tpu.memory_space<vmem>> -> memref<128xi32, #tpu.memory_space<vmem>>
      %dma_wait3A_90 = arith.constant 0 : i32
      %dma_wait3A_91 = arith.constant 0 : i32
      %dma_wait3A_92 = tpu.memref_slice %arg2[%dma_wait3A_90, %dma_wait3A_91] : memref<10112x128xf32, #tpu.memory_space<hbm>> -> memref<10112x128xf32, #tpu.memory_space<hbm>>
      tpu.wait_indirect_dma semaphore(%arg13 : memref<!tpu.dma_semaphore, #tpu.memory_space<semaphore_mem>>) src(%dma_wait3A_92 : memref<10112x128xf32, #tpu.memory_space<hbm>>) dst(%arg10 : memref<128x128xf32, #tpu.memory_space<vmem>>)
      %add3A_93 = arith.constant 16 : i32
      %add3A_94 = arith.addi %mul3A_20, %add3A_93 : i32
      %sub3A_95 = arith.constant 1 : i32
      %sub3A_96 = arith.subi %add3A_94, %sub3A_95 : i32
      "tpu.region"() ({
        %run_scoped3A = tpu.sem_alloc : memref<!tpu.dma_semaphore, #tpu.memory_space<semaphore_mem>>
        %dma_start3A_97 = arith.constant 0 : i32
        %dma_start3A_98 = tpu.memref_slice %arg8[%sub3A_96, %dma_start3A_97] : memref<32x128xi32, #tpu.memory_space<vmem>> -> memref<1x128xi32, #tpu.memory_space<vmem>>
        %dma_start3A_99 = tpu.memref_squeeze %dma_start3A_98 : memref<1x128xi32, #tpu.memory_space<vmem>> -> memref<128xi32, #tpu.memory_space<vmem>>
        %dma_start3A_100 = arith.constant 0 : i32
        %dma_start3A_101 = arith.constant 0 : i32
        %dma_start3A_102 = tpu.memref_slice %arg11[%dma_start3A_100, %dma_start3A_101] : memref<10112x128xf32, #tpu.memory_space<vmem_shared>> -> memref<10112x128xf32, #tpu.memory_space<vmem_shared>>
        tpu.enqueue_indirect_dma source(%arg10 : memref<128x128xf32, #tpu.memory_space<vmem>>) target(%dma_start3A_102 : memref<10112x128xf32, #tpu.memory_space<vmem_shared>>) offsets(%dma_start3A_99 : memref<128xi32, #tpu.memory_space<vmem>>) semaphore(%run_scoped3A : memref<!tpu.dma_semaphore, #tpu.memory_space<semaphore_mem>>) {add = true}
        %dma_wait3A_103 = arith.constant 0 : i32
        %dma_wait3A_104 = tpu.memref_slice %arg8[%sub3A_96, %dma_wait3A_103] : memref<32x128xi32, #tpu.memory_space<vmem>> -> memref<1x128xi32, #tpu.memory_space<vmem>>
        %dma_wait3A_105 = tpu.memref_squeeze %dma_wait3A_104 : memref<1x128xi32, #tpu.memory_space<vmem>> -> memref<128xi32, #tpu.memory_space<vmem>>
        %dma_wait3A_106 = arith.constant 0 : i32
        %dma_wait3A_107 = arith.constant 0 : i32
        %dma_wait3A_108 = tpu.memref_slice %arg11[%dma_wait3A_106, %dma_wait3A_107] : memref<10112x128xf32, #tpu.memory_space<vmem_shared>> -> memref<10112x128xf32, #tpu.memory_space<vmem_shared>>
        tpu.wait_indirect_dma semaphore(%run_scoped3A : memref<!tpu.dma_semaphore, #tpu.memory_space<semaphore_mem>>) src(%arg10 : memref<128x128xf32, #tpu.memory_space<vmem>>) dst(%dma_wait3A_108 : memref<10112x128xf32, #tpu.memory_space<vmem_shared>>)
        tpu.yield
      }) : () -> ()
    }
    %scan3A_7 = arith.constant 5 : i32
    %barrier3A_8 = arith.constant 0 : index
    tpu.barrier barrier_id(%barrier3A_8)
    "tpu.region"() ({
      %run_scoped3A = tpu.sem_alloc : memref<!tpu.dma_semaphore, #tpu.memory_space<semaphore_mem>>
      %dma_start3A = arith.constant 0 : i32
      %dma_start3A_9 = tpu.memref_slice %arg6[%arg0, %mul3A_2, %dma_start3A] : memref<2x10112x128xf32, #tpu.memory_space<hbm>> -> memref<1x632x128xf32, #tpu.memory_space<hbm>>
      %dma_start3A_10 = tpu.memref_squeeze %dma_start3A_9 : memref<1x632x128xf32, #tpu.memory_space<hbm>> -> memref<632x128xf32, #tpu.memory_space<hbm>>
      %dma_start3A_11 = arith.constant 0 : i32
      %dma_start3A_12 = tpu.memref_slice %arg11[%mul3A_2, %dma_start3A_11] : memref<10112x128xf32, #tpu.memory_space<vmem_shared>> -> memref<632x128xf32, #tpu.memory_space<vmem_shared>>
      tpu.enqueue_dma source(%dma_start3A_12 : memref<632x128xf32, #tpu.memory_space<vmem_shared>>) target(%dma_start3A_10 : memref<632x128xf32, #tpu.memory_space<hbm>>) target_semaphore(%run_scoped3A : memref<!tpu.dma_semaphore, #tpu.memory_space<semaphore_mem>>)
      %dma_wait3A = arith.constant 0 : i32
      %dma_wait3A_13 = tpu.memref_slice %arg6[%arg0, %mul3A_2, %dma_wait3A] : memref<2x10112x128xf32, #tpu.memory_space<hbm>> -> memref<1x632x128xf32, #tpu.memory_space<hbm>>
      %dma_wait3A_14 = tpu.memref_squeeze %dma_wait3A_13 : memref<1x632x128xf32, #tpu.memory_space<hbm>> -> memref<632x128xf32, #tpu.memory_space<hbm>>
      %dma_wait3A_15 = arith.constant 0 : i32
      %dma_wait3A_16 = tpu.memref_slice %arg11[%mul3A_2, %dma_wait3A_15] : memref<10112x128xf32, #tpu.memory_space<vmem_shared>> -> memref<632x128xf32, #tpu.memory_space<vmem_shared>>
      tpu.wait_dma2 semaphore(%run_scoped3A : memref<!tpu.dma_semaphore, #tpu.memory_space<semaphore_mem>>) src(%dma_wait3A_16 : memref<632x128xf32, #tpu.memory_space<vmem_shared>>) dst(%dma_wait3A_14 : memref<632x128xf32, #tpu.memory_space<hbm>>)
      tpu.yield
    }) : () -> ()
    return
  }
}

#map = affine_map<(d0, d1) -> (0, 0)>
#map1 = affine_map<(d0, d1) -> (0, 0, 0)>
module attributes {stable_mosaic.version = 14 : i64} {
  func.func @_sc_scatter_body(%arg0: i32, %arg1: i32, %arg2: memref<10112x128xf32, #tpu.memory_space<hbm>>, %arg3: memref<32x80x128xi32, #tpu.memory_space<hbm>>, %arg4: memref<32x80x128xi32, #tpu.memory_space<hbm>>, %arg5: memref<10112x128xf32, #tpu.memory_space<hbm>>, %arg6: memref<2x10112x128xf32, #tpu.memory_space<hbm>>, %arg7: memref<32x128xi32, #tpu.memory_space<vmem>>, %arg8: memref<32x128xi32, #tpu.memory_space<vmem>>, %arg9: memref<128x128xf32, #tpu.memory_space<vmem>>, %arg10: memref<128x128xf32, #tpu.memory_space<vmem>>, %arg11: memref<10112x128xf32, #tpu.memory_space<vmem_shared>>, %arg12: memref<!tpu.dma_semaphore, #tpu.memory_space<semaphore_mem>>, %arg13: memref<!tpu.dma_semaphore, #tpu.memory_space<semaphore_mem>>, %arg14: memref<!tpu.dma_semaphore, #tpu.memory_space<semaphore_mem>>) attributes {dimension_semantics = [#tpu.dimension_semantics<core_parallel>, #tpu.dimension_semantics<subcore_parallel>], iteration_bounds = array<i64: 2, 16>, scalar_prefetch = 0 : i64, scratch_operands = 8 : i64, tpu.core_type = #tpu.core_type<sc_vector_subcore>, window_params = [{transform_indices = #map}, {transform_indices = #map1}, {transform_indices = #map1}, {transform_indices = #map}, {transform_indices = #map1}]} {
    %mul3A = arith.constant 16 : i32
    %mul3A_0 = arith.muli %arg0, %mul3A : i32
    %add3A = arith.addi %mul3A_0, %arg1 : i32
    %mul3A_1 = arith.constant 632 : i32
    %mul3A_2 = arith.muli %arg1, %mul3A_1 : i32
    "tpu.region"() ({
      %run_scoped3A = tpu.sem_alloc : memref<!tpu.dma_semaphore, #tpu.memory_space<semaphore_mem>>
      %dma_start3A = arith.constant 0 : i32
      %dma_start3A_9 = arith.constant 0 : i32
      %dma_start3A_10 = tpu.memref_slice %arg7[%dma_start3A, %dma_start3A_9] : memref<32x128xi32, #tpu.memory_space<vmem>> -> memref<16x128xi32, #tpu.memory_space<vmem>>
      %dma_start3A_11 = arith.constant 0 : i32
      %dma_start3A_12 = arith.constant 0 : i32
      %dma_start3A_13 = tpu.memref_slice %arg3[%add3A, %dma_start3A_11, %dma_start3A_12] : memref<32x80x128xi32, #tpu.memory_space<hbm>> -> memref<1x16x128xi32, #tpu.memory_space<hbm>>
      %dma_start3A_14 = tpu.memref_squeeze %dma_start3A_13 : memref<1x16x128xi32, #tpu.memory_space<hbm>> -> memref<16x128xi32, #tpu.memory_space<hbm>>
      %dma_start3A_15 = arith.constant 0 : i32
      %dma_start3A_16 = arith.constant 0 : i32
      %dma_start3A_17 = tpu.memref_slice %arg7[%dma_start3A_15, %dma_start3A_16] : memref<32x128xi32, #tpu.memory_space<vmem>> -> memref<16x128xi32, #tpu.memory_space<vmem>>
      %dma_start3A_18 = arith.constant 0 : i32
      %dma_start3A_19 = arith.constant 0 : i32
      %dma_start3A_20 = tpu.memref_slice %arg3[%add3A, %dma_start3A_18, %dma_start3A_19] : memref<32x80x128xi32, #tpu.memory_space<hbm>> -> memref<1x16x128xi32, #tpu.memory_space<hbm>>
      %dma_start3A_21 = tpu.memref_squeeze %dma_start3A_20 : memref<1x16x128xi32, #tpu.memory_space<hbm>> -> memref<16x128xi32, #tpu.memory_space<hbm>>
      tpu.enqueue_dma source(%dma_start3A_21 : memref<16x128xi32, #tpu.memory_space<hbm>>) target(%dma_start3A_17 : memref<16x128xi32, #tpu.memory_space<vmem>>) target_semaphore(%run_scoped3A : memref<!tpu.dma_semaphore, #tpu.memory_space<semaphore_mem>>)
      %dma_wait3A = arith.constant 0 : i32
      %dma_wait3A_22 = arith.constant 0 : i32
      %dma_wait3A_23 = tpu.memref_slice %arg7[%dma_wait3A, %dma_wait3A_22] : memref<32x128xi32, #tpu.memory_space<vmem>> -> memref<16x128xi32, #tpu.memory_space<vmem>>
      %dma_wait3A_24 = arith.constant 0 : i32
      %dma_wait3A_25 = arith.constant 0 : i32
      %dma_wait3A_26 = tpu.memref_slice %arg3[%add3A, %dma_wait3A_24, %dma_wait3A_25] : memref<32x80x128xi32, #tpu.memory_space<hbm>> -> memref<1x16x128xi32, #tpu.memory_space<hbm>>
      %dma_wait3A_27 = tpu.memref_squeeze %dma_wait3A_26 : memref<1x16x128xi32, #tpu.memory_space<hbm>> -> memref<16x128xi32, #tpu.memory_space<hbm>>
      %dma_wait3A_28 = arith.constant 0 : i32
      %dma_wait3A_29 = arith.constant 0 : i32
      %dma_wait3A_30 = tpu.memref_slice %arg7[%dma_wait3A_28, %dma_wait3A_29] : memref<32x128xi32, #tpu.memory_space<vmem>> -> memref<16x128xi32, #tpu.memory_space<vmem>>
      %dma_wait3A_31 = arith.constant 0 : i32
      %dma_wait3A_32 = arith.constant 0 : i32
      %dma_wait3A_33 = tpu.memref_slice %arg3[%add3A, %dma_wait3A_31, %dma_wait3A_32] : memref<32x80x128xi32, #tpu.memory_space<hbm>> -> memref<1x16x128xi32, #tpu.memory_space<hbm>>
      %dma_wait3A_34 = tpu.memref_squeeze %dma_wait3A_33 : memref<1x16x128xi32, #tpu.memory_space<hbm>> -> memref<16x128xi32, #tpu.memory_space<hbm>>
      tpu.wait_dma2 semaphore(%run_scoped3A : memref<!tpu.dma_semaphore, #tpu.memory_space<semaphore_mem>>) src(%dma_wait3A_34 : memref<16x128xi32, #tpu.memory_space<hbm>>) dst(%dma_wait3A_30 : memref<16x128xi32, #tpu.memory_space<vmem>>)
      tpu.yield
    }) : () -> ()
    "tpu.region"() ({
      %run_scoped3A = tpu.sem_alloc : memref<!tpu.dma_semaphore, #tpu.memory_space<semaphore_mem>>
      %dma_start3A = arith.constant 0 : i32
      %dma_start3A_9 = arith.constant 0 : i32
      %dma_start3A_10 = tpu.memref_slice %arg8[%dma_start3A, %dma_start3A_9] : memref<32x128xi32, #tpu.memory_space<vmem>> -> memref<16x128xi32, #tpu.memory_space<vmem>>
      %dma_start3A_11 = arith.constant 0 : i32
      %dma_start3A_12 = arith.constant 0 : i32
      %dma_start3A_13 = tpu.memref_slice %arg4[%add3A, %dma_start3A_11, %dma_start3A_12] : memref<32x80x128xi32, #tpu.memory_space<hbm>> -> memref<1x16x128xi32, #tpu.memory_space<hbm>>
      %dma_start3A_14 = tpu.memref_squeeze %dma_start3A_13 : memref<1x16x128xi32, #tpu.memory_space<hbm>> -> memref<16x128xi32, #tpu.memory_space<hbm>>
      %dma_start3A_15 = arith.constant 0 : i32
      %dma_start3A_16 = arith.constant 0 : i32
      %dma_start3A_17 = tpu.memref_slice %arg8[%dma_start3A_15, %dma_start3A_16] : memref<32x128xi32, #tpu.memory_space<vmem>> -> memref<16x128xi32, #tpu.memory_space<vmem>>
      %dma_start3A_18 = arith.constant 0 : i32
      %dma_start3A_19 = arith.constant 0 : i32
      %dma_start3A_20 = tpu.memref_slice %arg4[%add3A, %dma_start3A_18, %dma_start3A_19] : memref<32x80x128xi32, #tpu.memory_space<hbm>> -> memref<1x16x128xi32, #tpu.memory_space<hbm>>
      %dma_start3A_21 = tpu.memref_squeeze %dma_start3A_20 : memref<1x16x128xi32, #tpu.memory_space<hbm>> -> memref<16x128xi32, #tpu.memory_space<hbm>>
      tpu.enqueue_dma source(%dma_start3A_21 : memref<16x128xi32, #tpu.memory_space<hbm>>) target(%dma_start3A_17 : memref<16x128xi32, #tpu.memory_space<vmem>>) target_semaphore(%run_scoped3A : memref<!tpu.dma_semaphore, #tpu.memory_space<semaphore_mem>>)
      %dma_wait3A = arith.constant 0 : i32
      %dma_wait3A_22 = arith.constant 0 : i32
      %dma_wait3A_23 = tpu.memref_slice %arg8[%dma_wait3A, %dma_wait3A_22] : memref<32x128xi32, #tpu.memory_space<vmem>> -> memref<16x128xi32, #tpu.memory_space<vmem>>
      %dma_wait3A_24 = arith.constant 0 : i32
      %dma_wait3A_25 = arith.constant 0 : i32
      %dma_wait3A_26 = tpu.memref_slice %arg4[%add3A, %dma_wait3A_24, %dma_wait3A_25] : memref<32x80x128xi32, #tpu.memory_space<hbm>> -> memref<1x16x128xi32, #tpu.memory_space<hbm>>
      %dma_wait3A_27 = tpu.memref_squeeze %dma_wait3A_26 : memref<1x16x128xi32, #tpu.memory_space<hbm>> -> memref<16x128xi32, #tpu.memory_space<hbm>>
      %dma_wait3A_28 = arith.constant 0 : i32
      %dma_wait3A_29 = arith.constant 0 : i32
      %dma_wait3A_30 = tpu.memref_slice %arg8[%dma_wait3A_28, %dma_wait3A_29] : memref<32x128xi32, #tpu.memory_space<vmem>> -> memref<16x128xi32, #tpu.memory_space<vmem>>
      %dma_wait3A_31 = arith.constant 0 : i32
      %dma_wait3A_32 = arith.constant 0 : i32
      %dma_wait3A_33 = tpu.memref_slice %arg4[%add3A, %dma_wait3A_31, %dma_wait3A_32] : memref<32x80x128xi32, #tpu.memory_space<hbm>> -> memref<1x16x128xi32, #tpu.memory_space<hbm>>
      %dma_wait3A_34 = tpu.memref_squeeze %dma_wait3A_33 : memref<1x16x128xi32, #tpu.memory_space<hbm>> -> memref<16x128xi32, #tpu.memory_space<hbm>>
      tpu.wait_dma2 semaphore(%run_scoped3A : memref<!tpu.dma_semaphore, #tpu.memory_space<semaphore_mem>>) src(%dma_wait3A_34 : memref<16x128xi32, #tpu.memory_space<hbm>>) dst(%dma_wait3A_30 : memref<16x128xi32, #tpu.memory_space<vmem>>)
      tpu.yield
    }) : () -> ()
    "tpu.region"() ({
      %run_scoped3A = tpu.sem_alloc : memref<!tpu.dma_semaphore, #tpu.memory_space<semaphore_mem>>
      %dma_start3A = arith.constant 0 : i32
      %dma_start3A_9 = tpu.memref_slice %arg11[%mul3A_2, %dma_start3A] : memref<10112x128xf32, #tpu.memory_space<vmem_shared>> -> memref<632x128xf32, #tpu.memory_space<vmem_shared>>
      %dma_start3A_10 = arith.constant 0 : i32
      %dma_start3A_11 = tpu.memref_slice %arg5[%mul3A_2, %dma_start3A_10] : memref<10112x128xf32, #tpu.memory_space<hbm>> -> memref<632x128xf32, #tpu.memory_space<hbm>>
      tpu.enqueue_dma source(%dma_start3A_11 : memref<632x128xf32, #tpu.memory_space<hbm>>) target(%dma_start3A_9 : memref<632x128xf32, #tpu.memory_space<vmem_shared>>) target_semaphore(%run_scoped3A : memref<!tpu.dma_semaphore, #tpu.memory_space<semaphore_mem>>)
      %dma_wait3A = arith.constant 0 : i32
      %dma_wait3A_12 = tpu.memref_slice %arg11[%mul3A_2, %dma_wait3A] : memref<10112x128xf32, #tpu.memory_space<vmem_shared>> -> memref<632x128xf32, #tpu.memory_space<vmem_shared>>
      %dma_wait3A_13 = arith.constant 0 : i32
      %dma_wait3A_14 = tpu.memref_slice %arg5[%mul3A_2, %dma_wait3A_13] : memref<10112x128xf32, #tpu.memory_space<hbm>> -> memref<632x128xf32, #tpu.memory_space<hbm>>
      tpu.wait_dma2 semaphore(%run_scoped3A : memref<!tpu.dma_semaphore, #tpu.memory_space<semaphore_mem>>) src(%dma_wait3A_14 : memref<632x128xf32, #tpu.memory_space<hbm>>) dst(%dma_wait3A_12 : memref<632x128xf32, #tpu.memory_space<vmem_shared>>)
      tpu.yield
    }) : () -> ()
    %barrier3A = arith.constant 0 : index
    tpu.barrier barrier_id(%barrier3A)
    %scan3A = arith.constant 0 : i32
    %scan3A_3 = arith.constant 0 : i32
    %scan3A_4 = arith.constant 5 : i32
    %scan3A_5 = arith.addi %scan3A_3, %scan3A_4 : i32
    %scan3A_6 = arith.constant 1 : i32
    scf.for %scan3A_9 = %scan3A_3 to %scan3A_5 step %scan3A_6  : i32 {
      %jit3A = arith.constant 2 : i32
      %eq3A = arith.constant 0 : i32
      %eq3A_10 = arith.cmpi eq, %jit3A, %eq3A : i32
      %jit3A_11 = arith.constant 1 : i32
      %select_n3A = arith.select %eq3A_10, %jit3A_11, %jit3A : i32
      %rem3A = arith.remsi %scan3A_9, %select_n3A : i32
      %ne3A = arith.constant 0 : i32
      %ne3A_12 = arith.cmpi ne, %rem3A, %ne3A : i32
      %lt3A = arith.constant 0 : i32
      %lt3A_13 = arith.cmpi slt, %rem3A, %lt3A : i32
      %lt3A_14 = arith.constant 0 : i32
      %lt3A_15 = arith.cmpi slt, %select_n3A, %lt3A_14 : i32
      %ne3A_16 = arith.xori %lt3A_13, %lt3A_15 : i1
      %and3A = arith.andi %ne3A_16, %ne3A_12 : i1
      %add3A_17 = arith.addi %rem3A, %select_n3A : i32
      %select_n3A_18 = arith.select %and3A, %add3A_17, %rem3A : i32
      %mul3A_19 = arith.constant 16 : i32
      %mul3A_20 = arith.muli %select_n3A_18, %mul3A_19 : i32
      %add3A_21 = arith.constant 1 : i32
      %add3A_22 = arith.addi %scan3A_9, %add3A_21 : i32
      %jit3A_23 = arith.constant 2 : i32
      %eq3A_24 = arith.constant 0 : i32
      %eq3A_25 = arith.cmpi eq, %jit3A_23, %eq3A_24 : i32
      %jit3A_26 = arith.constant 1 : i32
      %select_n3A_27 = arith.select %eq3A_25, %jit3A_26, %jit3A_23 : i32
      %rem3A_28 = arith.remsi %add3A_22, %select_n3A_27 : i32
      %ne3A_29 = arith.constant 0 : i32
      %ne3A_30 = arith.cmpi ne, %rem3A_28, %ne3A_29 : i32
      %lt3A_31 = arith.constant 0 : i32
      %lt3A_32 = arith.cmpi slt, %rem3A_28, %lt3A_31 : i32
      %lt3A_33 = arith.constant 0 : i32
      %lt3A_34 = arith.cmpi slt, %select_n3A_27, %lt3A_33 : i32
      %ne3A_35 = arith.xori %lt3A_32, %lt3A_34 : i1
      %and3A_36 = arith.andi %ne3A_35, %ne3A_30 : i1
      %add3A_37 = arith.addi %rem3A_28, %select_n3A_27 : i32
      %select_n3A_38 = arith.select %and3A_36, %add3A_37, %rem3A_28 : i32
      %mul3A_39 = arith.constant 16 : i32
      %mul3A_40 = arith.muli %select_n3A_38, %mul3A_39 : i32
      %gt3A = arith.constant 0 : i32
      %gt3A_41 = arith.cmpi sgt, %scan3A_9, %gt3A : i32
      %convert_element_type3A = arith.extui %gt3A_41 : i1 to i32
      %cond3A = arith.constant 0 : i32
      %cond3A_42 = arith.cmpi ne, %convert_element_type3A, %cond3A : i32
      scf.if %cond3A_42 {
        %mul3A_97 = arith.constant 16 : i32
        %mul3A_98 = arith.muli %scan3A_9, %mul3A_97 : i32
        %dma_wait3A_99 = arith.constant 0 : i32
        %dma_wait3A_100 = tpu.memref_slice %arg7[%mul3A_20, %dma_wait3A_99] : memref<32x128xi32, #tpu.memory_space<vmem>> -> memref<16x128xi32, #tpu.memory_space<vmem>>
        %dma_wait3A_101 = arith.constant 0 : i32
        %dma_wait3A_102 = tpu.memref_slice %arg3[%add3A, %mul3A_98, %dma_wait3A_101] : memref<32x80x128xi32, #tpu.memory_space<hbm>> -> memref<1x16x128xi32, #tpu.memory_space<hbm>>
        %dma_wait3A_103 = tpu.memref_squeeze %dma_wait3A_102 : memref<1x16x128xi32, #tpu.memory_space<hbm>> -> memref<16x128xi32, #tpu.memory_space<hbm>>
        %dma_wait3A_104 = arith.constant 0 : i32
        %dma_wait3A_105 = tpu.memref_slice %arg7[%mul3A_20, %dma_wait3A_104] : memref<32x128xi32, #tpu.memory_space<vmem>> -> memref<16x128xi32, #tpu.memory_space<vmem>>
        %dma_wait3A_106 = arith.constant 0 : i32
        %dma_wait3A_107 = tpu.memref_slice %arg3[%add3A, %mul3A_98, %dma_wait3A_106] : memref<32x80x128xi32, #tpu.memory_space<hbm>> -> memref<1x16x128xi32, #tpu.memory_space<hbm>>
        %dma_wait3A_108 = tpu.memref_squeeze %dma_wait3A_107 : memref<1x16x128xi32, #tpu.memory_space<hbm>> -> memref<16x128xi32, #tpu.memory_space<hbm>>
        tpu.wait_dma2 semaphore(%arg14 : memref<!tpu.dma_semaphore, #tpu.memory_space<semaphore_mem>>) src(%dma_wait3A_108 : memref<16x128xi32, #tpu.memory_space<hbm>>) dst(%dma_wait3A_105 : memref<16x128xi32, #tpu.memory_space<vmem>>)
        %mul3A_109 = arith.constant 16 : i32
        %mul3A_110 = arith.muli %scan3A_9, %mul3A_109 : i32
        %dma_wait3A_111 = arith.constant 0 : i32
        %dma_wait3A_112 = tpu.memref_slice %arg8[%mul3A_20, %dma_wait3A_111] : memref<32x128xi32, #tpu.memory_space<vmem>> -> memref<16x128xi32, #tpu.memory_space<vmem>>
        %dma_wait3A_113 = arith.constant 0 : i32
        %dma_wait3A_114 = tpu.memref_slice %arg4[%add3A, %mul3A_110, %dma_wait3A_113] : memref<32x80x128xi32, #tpu.memory_space<hbm>> -> memref<1x16x128xi32, #tpu.memory_space<hbm>>
        %dma_wait3A_115 = tpu.memref_squeeze %dma_wait3A_114 : memref<1x16x128xi32, #tpu.memory_space<hbm>> -> memref<16x128xi32, #tpu.memory_space<hbm>>
        %dma_wait3A_116 = arith.constant 0 : i32
        %dma_wait3A_117 = tpu.memref_slice %arg8[%mul3A_20, %dma_wait3A_116] : memref<32x128xi32, #tpu.memory_space<vmem>> -> memref<16x128xi32, #tpu.memory_space<vmem>>
        %dma_wait3A_118 = arith.constant 0 : i32
        %dma_wait3A_119 = tpu.memref_slice %arg4[%add3A, %mul3A_110, %dma_wait3A_118] : memref<32x80x128xi32, #tpu.memory_space<hbm>> -> memref<1x16x128xi32, #tpu.memory_space<hbm>>
        %dma_wait3A_120 = tpu.memref_squeeze %dma_wait3A_119 : memref<1x16x128xi32, #tpu.memory_space<hbm>> -> memref<16x128xi32, #tpu.memory_space<hbm>>
        tpu.wait_dma2 semaphore(%arg14 : memref<!tpu.dma_semaphore, #tpu.memory_space<semaphore_mem>>) src(%dma_wait3A_120 : memref<16x128xi32, #tpu.memory_space<hbm>>) dst(%dma_wait3A_117 : memref<16x128xi32, #tpu.memory_space<vmem>>)
      } else {
      }
      %add3A_43 = arith.constant 1 : i32
      %add3A_44 = arith.addi %scan3A_9, %add3A_43 : i32
      %lt3A_45 = arith.constant 5 : i32
      %lt3A_46 = arith.cmpi slt, %add3A_44, %lt3A_45 : i32
      %convert_element_type3A_47 = arith.extui %lt3A_46 : i1 to i32
      %cond3A_48 = arith.constant 0 : i32
      %cond3A_49 = arith.cmpi ne, %convert_element_type3A_47, %cond3A_48 : i32
      scf.if %cond3A_49 {
        %add3A_97 = arith.constant 1 : i32
        %add3A_98 = arith.addi %scan3A_9, %add3A_97 : i32
        %mul3A_99 = arith.constant 16 : i32
        %mul3A_100 = arith.muli %add3A_98, %mul3A_99 : i32
        %dma_start3A_101 = arith.constant 0 : i32
        %dma_start3A_102 = tpu.memref_slice %arg7[%mul3A_40, %dma_start3A_101] : memref<32x128xi32, #tpu.memory_space<vmem>> -> memref<16x128xi32, #tpu.memory_space<vmem>>
        %dma_start3A_103 = arith.constant 0 : i32
        %dma_start3A_104 = tpu.memref_slice %arg3[%add3A, %mul3A_100, %dma_start3A_103] : memref<32x80x128xi32, #tpu.memory_space<hbm>> -> memref<1x16x128xi32, #tpu.memory_space<hbm>>
        %dma_start3A_105 = tpu.memref_squeeze %dma_start3A_104 : memref<1x16x128xi32, #tpu.memory_space<hbm>> -> memref<16x128xi32, #tpu.memory_space<hbm>>
        %dma_start3A_106 = arith.constant 0 : i32
        %dma_start3A_107 = tpu.memref_slice %arg7[%mul3A_40, %dma_start3A_106] : memref<32x128xi32, #tpu.memory_space<vmem>> -> memref<16x128xi32, #tpu.memory_space<vmem>>
        %dma_start3A_108 = arith.constant 0 : i32
        %dma_start3A_109 = tpu.memref_slice %arg3[%add3A, %mul3A_100, %dma_start3A_108] : memref<32x80x128xi32, #tpu.memory_space<hbm>> -> memref<1x16x128xi32, #tpu.memory_space<hbm>>
        %dma_start3A_110 = tpu.memref_squeeze %dma_start3A_109 : memref<1x16x128xi32, #tpu.memory_space<hbm>> -> memref<16x128xi32, #tpu.memory_space<hbm>>
        tpu.enqueue_dma source(%dma_start3A_110 : memref<16x128xi32, #tpu.memory_space<hbm>>) target(%dma_start3A_107 : memref<16x128xi32, #tpu.memory_space<vmem>>) target_semaphore(%arg14 : memref<!tpu.dma_semaphore, #tpu.memory_space<semaphore_mem>>)
        %add3A_111 = arith.constant 1 : i32
        %add3A_112 = arith.addi %scan3A_9, %add3A_111 : i32
        %mul3A_113 = arith.constant 16 : i32
        %mul3A_114 = arith.muli %add3A_112, %mul3A_113 : i32
        %dma_start3A_115 = arith.constant 0 : i32
        %dma_start3A_116 = tpu.memref_slice %arg8[%mul3A_40, %dma_start3A_115] : memref<32x128xi32, #tpu.memory_space<vmem>> -> memref<16x128xi32, #tpu.memory_space<vmem>>
        %dma_start3A_117 = arith.constant 0 : i32
        %dma_start3A_118 = tpu.memref_slice %arg4[%add3A, %mul3A_114, %dma_start3A_117] : memref<32x80x128xi32, #tpu.memory_space<hbm>> -> memref<1x16x128xi32, #tpu.memory_space<hbm>>
        %dma_start3A_119 = tpu.memref_squeeze %dma_start3A_118 : memref<1x16x128xi32, #tpu.memory_space<hbm>> -> memref<16x128xi32, #tpu.memory_space<hbm>>
        %dma_start3A_120 = arith.constant 0 : i32
        %dma_start3A_121 = tpu.memref_slice %arg8[%mul3A_40, %dma_start3A_120] : memref<32x128xi32, #tpu.memory_space<vmem>> -> memref<16x128xi32, #tpu.memory_space<vmem>>
        %dma_start3A_122 = arith.constant 0 : i32
        %dma_start3A_123 = tpu.memref_slice %arg4[%add3A, %mul3A_114, %dma_start3A_122] : memref<32x80x128xi32, #tpu.memory_space<hbm>> -> memref<1x16x128xi32, #tpu.memory_space<hbm>>
        %dma_start3A_124 = tpu.memref_squeeze %dma_start3A_123 : memref<1x16x128xi32, #tpu.memory_space<hbm>> -> memref<16x128xi32, #tpu.memory_space<hbm>>
        tpu.enqueue_dma source(%dma_start3A_124 : memref<16x128xi32, #tpu.memory_space<hbm>>) target(%dma_start3A_121 : memref<16x128xi32, #tpu.memory_space<vmem>>) target_semaphore(%arg14 : memref<!tpu.dma_semaphore, #tpu.memory_space<semaphore_mem>>)
      } else {
      }
      %dma_start3A = arith.constant 0 : i32
      %dma_start3A_50 = tpu.memref_slice %arg7[%mul3A_20, %dma_start3A] : memref<32x128xi32, #tpu.memory_space<vmem>> -> memref<1x128xi32, #tpu.memory_space<vmem>>
      %dma_start3A_51 = tpu.memref_squeeze %dma_start3A_50 : memref<1x128xi32, #tpu.memory_space<vmem>> -> memref<128xi32, #tpu.memory_space<vmem>>
      %dma_start3A_52 = arith.constant 0 : i32
      %dma_start3A_53 = arith.constant 0 : i32
      %dma_start3A_54 = tpu.memref_slice %arg2[%dma_start3A_52, %dma_start3A_53] : memref<10112x128xf32, #tpu.memory_space<hbm>> -> memref<10112x128xf32, #tpu.memory_space<hbm>>
      tpu.enqueue_indirect_dma source(%dma_start3A_54 : memref<10112x128xf32, #tpu.memory_space<hbm>>) target(%arg9 : memref<128x128xf32, #tpu.memory_space<vmem>>) offsets(%dma_start3A_51 : memref<128xi32, #tpu.memory_space<vmem>>) semaphore(%arg12 : memref<!tpu.dma_semaphore, #tpu.memory_space<semaphore_mem>>)
      %scan3A_55 = arith.constant 0 : i32
      %scan3A_56 = arith.constant 0 : i32
      %scan3A_57 = arith.constant 7 : i32
      %scan3A_58 = arith.addi %scan3A_56, %scan3A_57 : i32
      %scan3A_59 = arith.constant 1 : i32
      scf.for %scan3A_97 = %scan3A_56 to %scan3A_58 step %scan3A_59  : i32 {
        %mul3A_98 = arith.constant 2 : i32
        %mul3A_99 = arith.muli %mul3A_98, %scan3A_97 : i32
        %add3A_100 = arith.addi %mul3A_20, %mul3A_99 : i32
        %add3A_101 = arith.constant 1 : i32
        %add3A_102 = arith.addi %add3A_100, %add3A_101 : i32
        %dma_start3A_103 = arith.constant 0 : i32
        %dma_start3A_104 = tpu.memref_slice %arg7[%add3A_102, %dma_start3A_103] : memref<32x128xi32, #tpu.memory_space<vmem>> -> memref<1x128xi32, #tpu.memory_space<vmem>>
        %dma_start3A_105 = tpu.memref_squeeze %dma_start3A_104 : memref<1x128xi32, #tpu.memory_space<vmem>> -> memref<128xi32, #tpu.memory_space<vmem>>
        %dma_start3A_106 = arith.constant 0 : i32
        %dma_start3A_107 = arith.constant 0 : i32
        %dma_start3A_108 = tpu.memref_slice %arg2[%dma_start3A_106, %dma_start3A_107] : memref<10112x128xf32, #tpu.memory_space<hbm>> -> memref<10112x128xf32, #tpu.memory_space<hbm>>
        tpu.enqueue_indirect_dma source(%dma_start3A_108 : memref<10112x128xf32, #tpu.memory_space<hbm>>) target(%arg10 : memref<128x128xf32, #tpu.memory_space<vmem>>) offsets(%dma_start3A_105 : memref<128xi32, #tpu.memory_space<vmem>>) semaphore(%arg13 : memref<!tpu.dma_semaphore, #tpu.memory_space<semaphore_mem>>)
        %dma_wait3A_109 = arith.constant 0 : i32
        %dma_wait3A_110 = tpu.memref_slice %arg7[%add3A_100, %dma_wait3A_109] : memref<32x128xi32, #tpu.memory_space<vmem>> -> memref<1x128xi32, #tpu.memory_space<vmem>>
        %dma_wait3A_111 = tpu.memref_squeeze %dma_wait3A_110 : memref<1x128xi32, #tpu.memory_space<vmem>> -> memref<128xi32, #tpu.memory_space<vmem>>
        %dma_wait3A_112 = arith.constant 0 : i32
        %dma_wait3A_113 = arith.constant 0 : i32
        %dma_wait3A_114 = tpu.memref_slice %arg2[%dma_wait3A_112, %dma_wait3A_113] : memref<10112x128xf32, #tpu.memory_space<hbm>> -> memref<10112x128xf32, #tpu.memory_space<hbm>>
        tpu.wait_indirect_dma semaphore(%arg12 : memref<!tpu.dma_semaphore, #tpu.memory_space<semaphore_mem>>) src(%dma_wait3A_114 : memref<10112x128xf32, #tpu.memory_space<hbm>>) dst(%arg9 : memref<128x128xf32, #tpu.memory_space<vmem>>)
        "tpu.region"() ({
          %run_scoped3A = tpu.sem_alloc : memref<!tpu.dma_semaphore, #tpu.memory_space<semaphore_mem>>
          %dma_start3A_133 = arith.constant 0 : i32
          %dma_start3A_134 = tpu.memref_slice %arg8[%add3A_100, %dma_start3A_133] : memref<32x128xi32, #tpu.memory_space<vmem>> -> memref<1x128xi32, #tpu.memory_space<vmem>>
          %dma_start3A_135 = tpu.memref_squeeze %dma_start3A_134 : memref<1x128xi32, #tpu.memory_space<vmem>> -> memref<128xi32, #tpu.memory_space<vmem>>
          %dma_start3A_136 = arith.constant 0 : i32
          %dma_start3A_137 = arith.constant 0 : i32
          %dma_start3A_138 = tpu.memref_slice %arg11[%dma_start3A_136, %dma_start3A_137] : memref<10112x128xf32, #tpu.memory_space<vmem_shared>> -> memref<10112x128xf32, #tpu.memory_space<vmem_shared>>
          tpu.enqueue_indirect_dma source(%arg9 : memref<128x128xf32, #tpu.memory_space<vmem>>) target(%dma_start3A_138 : memref<10112x128xf32, #tpu.memory_space<vmem_shared>>) offsets(%dma_start3A_135 : memref<128xi32, #tpu.memory_space<vmem>>) semaphore(%run_scoped3A : memref<!tpu.dma_semaphore, #tpu.memory_space<semaphore_mem>>) {add = true}
          %dma_wait3A_139 = arith.constant 0 : i32
          %dma_wait3A_140 = tpu.memref_slice %arg8[%add3A_100, %dma_wait3A_139] : memref<32x128xi32, #tpu.memory_space<vmem>> -> memref<1x128xi32, #tpu.memory_space<vmem>>
          %dma_wait3A_141 = tpu.memref_squeeze %dma_wait3A_140 : memref<1x128xi32, #tpu.memory_space<vmem>> -> memref<128xi32, #tpu.memory_space<vmem>>
          %dma_wait3A_142 = arith.constant 0 : i32
          %dma_wait3A_143 = arith.constant 0 : i32
          %dma_wait3A_144 = tpu.memref_slice %arg11[%dma_wait3A_142, %dma_wait3A_143] : memref<10112x128xf32, #tpu.memory_space<vmem_shared>> -> memref<10112x128xf32, #tpu.memory_space<vmem_shared>>
          tpu.wait_indirect_dma semaphore(%run_scoped3A : memref<!tpu.dma_semaphore, #tpu.memory_space<semaphore_mem>>) src(%arg9 : memref<128x128xf32, #tpu.memory_space<vmem>>) dst(%dma_wait3A_144 : memref<10112x128xf32, #tpu.memory_space<vmem_shared>>)
          tpu.yield
        }) : () -> ()
        %add3A_115 = arith.constant 2 : i32
        %add3A_116 = arith.addi %add3A_100, %add3A_115 : i32
        %dma_start3A_117 = arith.constant 0 : i32
        %dma_start3A_118 = tpu.memref_slice %arg7[%add3A_116, %dma_start3A_117] : memref<32x128xi32, #tpu.memory_space<vmem>> -> memref<1x128xi32, #tpu.memory_space<vmem>>
        %dma_start3A_119 = tpu.memref_squeeze %dma_start3A_118 : memref<1x128xi32, #tpu.memory_space<vmem>> -> memref<128xi32, #tpu.memory_space<vmem>>
        %dma_start3A_120 = arith.constant 0 : i32
        %dma_start3A_121 = arith.constant 0 : i32
        %dma_start3A_122 = tpu.memref_slice %arg2[%dma_start3A_120, %dma_start3A_121] : memref<10112x128xf32, #tpu.memory_space<hbm>> -> memref<10112x128xf32, #tpu.memory_space<hbm>>
        tpu.enqueue_indirect_dma source(%dma_start3A_122 : memref<10112x128xf32, #tpu.memory_space<hbm>>) target(%arg9 : memref<128x128xf32, #tpu.memory_space<vmem>>) offsets(%dma_start3A_119 : memref<128xi32, #tpu.memory_space<vmem>>) semaphore(%arg12 : memref<!tpu.dma_semaphore, #tpu.memory_space<semaphore_mem>>)
        %add3A_123 = arith.constant 1 : i32
        %add3A_124 = arith.addi %add3A_100, %add3A_123 : i32
        %dma_wait3A_125 = arith.constant 0 : i32
        %dma_wait3A_126 = tpu.memref_slice %arg7[%add3A_124, %dma_wait3A_125] : memref<32x128xi32, #tpu.memory_space<vmem>> -> memref<1x128xi32, #tpu.memory_space<vmem>>
        %dma_wait3A_127 = tpu.memref_squeeze %dma_wait3A_126 : memref<1x128xi32, #tpu.memory_space<vmem>> -> memref<128xi32, #tpu.memory_space<vmem>>
        %dma_wait3A_128 = arith.constant 0 : i32
        %dma_wait3A_129 = arith.constant 0 : i32
        %dma_wait3A_130 = tpu.memref_slice %arg2[%dma_wait3A_128, %dma_wait3A_129] : memref<10112x128xf32, #tpu.memory_space<hbm>> -> memref<10112x128xf32, #tpu.memory_space<hbm>>
        tpu.wait_indirect_dma semaphore(%arg13 : memref<!tpu.dma_semaphore, #tpu.memory_space<semaphore_mem>>) src(%dma_wait3A_130 : memref<10112x128xf32, #tpu.memory_space<hbm>>) dst(%arg10 : memref<128x128xf32, #tpu.memory_space<vmem>>)
        %add3A_131 = arith.constant 1 : i32
        %add3A_132 = arith.addi %add3A_100, %add3A_131 : i32
        "tpu.region"() ({
          %run_scoped3A = tpu.sem_alloc : memref<!tpu.dma_semaphore, #tpu.memory_space<semaphore_mem>>
          %dma_start3A_133 = arith.constant 0 : i32
          %dma_start3A_134 = tpu.memref_slice %arg8[%add3A_132, %dma_start3A_133] : memref<32x128xi32, #tpu.memory_space<vmem>> -> memref<1x128xi32, #tpu.memory_space<vmem>>
          %dma_start3A_135 = tpu.memref_squeeze %dma_start3A_134 : memref<1x128xi32, #tpu.memory_space<vmem>> -> memref<128xi32, #tpu.memory_space<vmem>>
          %dma_start3A_136 = arith.constant 0 : i32
          %dma_start3A_137 = arith.constant 0 : i32
          %dma_start3A_138 = tpu.memref_slice %arg11[%dma_start3A_136, %dma_start3A_137] : memref<10112x128xf32, #tpu.memory_space<vmem_shared>> -> memref<10112x128xf32, #tpu.memory_space<vmem_shared>>
          tpu.enqueue_indirect_dma source(%arg10 : memref<128x128xf32, #tpu.memory_space<vmem>>) target(%dma_start3A_138 : memref<10112x128xf32, #tpu.memory_space<vmem_shared>>) offsets(%dma_start3A_135 : memref<128xi32, #tpu.memory_space<vmem>>) semaphore(%run_scoped3A : memref<!tpu.dma_semaphore, #tpu.memory_space<semaphore_mem>>) {add = true}
          %dma_wait3A_139 = arith.constant 0 : i32
          %dma_wait3A_140 = tpu.memref_slice %arg8[%add3A_132, %dma_wait3A_139] : memref<32x128xi32, #tpu.memory_space<vmem>> -> memref<1x128xi32, #tpu.memory_space<vmem>>
          %dma_wait3A_141 = tpu.memref_squeeze %dma_wait3A_140 : memref<1x128xi32, #tpu.memory_space<vmem>> -> memref<128xi32, #tpu.memory_space<vmem>>
          %dma_wait3A_142 = arith.constant 0 : i32
          %dma_wait3A_143 = arith.constant 0 : i32
          %dma_wait3A_144 = tpu.memref_slice %arg11[%dma_wait3A_142, %dma_wait3A_143] : memref<10112x128xf32, #tpu.memory_space<vmem_shared>> -> memref<10112x128xf32, #tpu.memory_space<vmem_shared>>
          tpu.wait_indirect_dma semaphore(%run_scoped3A : memref<!tpu.dma_semaphore, #tpu.memory_space<semaphore_mem>>) src(%arg10 : memref<128x128xf32, #tpu.memory_space<vmem>>) dst(%dma_wait3A_144 : memref<10112x128xf32, #tpu.memory_space<vmem_shared>>)
          tpu.yield
        }) : () -> ()
      }
      %scan3A_60 = arith.constant 7 : i32
      %add3A_61 = arith.constant 16 : i32
      %add3A_62 = arith.addi %mul3A_20, %add3A_61 : i32
      %sub3A = arith.constant 1 : i32
      %sub3A_63 = arith.subi %add3A_62, %sub3A : i32
      %dma_start3A_64 = arith.constant 0 : i32
      %dma_start3A_65 = tpu.memref_slice %arg7[%sub3A_63, %dma_start3A_64] : memref<32x128xi32, #tpu.memory_space<vmem>> -> memref<1x128xi32, #tpu.memory_space<vmem>>
      %dma_start3A_66 = tpu.memref_squeeze %dma_start3A_65 : memref<1x128xi32, #tpu.memory_space<vmem>> -> memref<128xi32, #tpu.memory_space<vmem>>
      %dma_start3A_67 = arith.constant 0 : i32
      %dma_start3A_68 = arith.constant 0 : i32
      %dma_start3A_69 = tpu.memref_slice %arg2[%dma_start3A_67, %dma_start3A_68] : memref<10112x128xf32, #tpu.memory_space<hbm>> -> memref<10112x128xf32, #tpu.memory_space<hbm>>
      tpu.enqueue_indirect_dma source(%dma_start3A_69 : memref<10112x128xf32, #tpu.memory_space<hbm>>) target(%arg10 : memref<128x128xf32, #tpu.memory_space<vmem>>) offsets(%dma_start3A_66 : memref<128xi32, #tpu.memory_space<vmem>>) semaphore(%arg13 : memref<!tpu.dma_semaphore, #tpu.memory_space<semaphore_mem>>)
      %add3A_70 = arith.constant 16 : i32
      %add3A_71 = arith.addi %mul3A_20, %add3A_70 : i32
      %sub3A_72 = arith.constant 2 : i32
      %sub3A_73 = arith.subi %add3A_71, %sub3A_72 : i32
      %dma_wait3A = arith.constant 0 : i32
      %dma_wait3A_74 = tpu.memref_slice %arg7[%sub3A_73, %dma_wait3A] : memref<32x128xi32, #tpu.memory_space<vmem>> -> memref<1x128xi32, #tpu.memory_space<vmem>>
      %dma_wait3A_75 = tpu.memref_squeeze %dma_wait3A_74 : memref<1x128xi32, #tpu.memory_space<vmem>> -> memref<128xi32, #tpu.memory_space<vmem>>
      %dma_wait3A_76 = arith.constant 0 : i32
      %dma_wait3A_77 = arith.constant 0 : i32
      %dma_wait3A_78 = tpu.memref_slice %arg2[%dma_wait3A_76, %dma_wait3A_77] : memref<10112x128xf32, #tpu.memory_space<hbm>> -> memref<10112x128xf32, #tpu.memory_space<hbm>>
      tpu.wait_indirect_dma semaphore(%arg12 : memref<!tpu.dma_semaphore, #tpu.memory_space<semaphore_mem>>) src(%dma_wait3A_78 : memref<10112x128xf32, #tpu.memory_space<hbm>>) dst(%arg9 : memref<128x128xf32, #tpu.memory_space<vmem>>)
      %add3A_79 = arith.constant 16 : i32
      %add3A_80 = arith.addi %mul3A_20, %add3A_79 : i32
      %sub3A_81 = arith.constant 2 : i32
      %sub3A_82 = arith.subi %add3A_80, %sub3A_81 : i32
      "tpu.region"() ({
        %run_scoped3A = tpu.sem_alloc : memref<!tpu.dma_semaphore, #tpu.memory_space<semaphore_mem>>
        %dma_start3A_97 = arith.constant 0 : i32
        %dma_start3A_98 = tpu.memref_slice %arg8[%sub3A_82, %dma_start3A_97] : memref<32x128xi32, #tpu.memory_space<vmem>> -> memref<1x128xi32, #tpu.memory_space<vmem>>
        %dma_start3A_99 = tpu.memref_squeeze %dma_start3A_98 : memref<1x128xi32, #tpu.memory_space<vmem>> -> memref<128xi32, #tpu.memory_space<vmem>>
        %dma_start3A_100 = arith.constant 0 : i32
        %dma_start3A_101 = arith.constant 0 : i32
        %dma_start3A_102 = tpu.memref_slice %arg11[%dma_start3A_100, %dma_start3A_101] : memref<10112x128xf32, #tpu.memory_space<vmem_shared>> -> memref<10112x128xf32, #tpu.memory_space<vmem_shared>>
        tpu.enqueue_indirect_dma source(%arg9 : memref<128x128xf32, #tpu.memory_space<vmem>>) target(%dma_start3A_102 : memref<10112x128xf32, #tpu.memory_space<vmem_shared>>) offsets(%dma_start3A_99 : memref<128xi32, #tpu.memory_space<vmem>>) semaphore(%run_scoped3A : memref<!tpu.dma_semaphore, #tpu.memory_space<semaphore_mem>>) {add = true}
        %dma_wait3A_103 = arith.constant 0 : i32
        %dma_wait3A_104 = tpu.memref_slice %arg8[%sub3A_82, %dma_wait3A_103] : memref<32x128xi32, #tpu.memory_space<vmem>> -> memref<1x128xi32, #tpu.memory_space<vmem>>
        %dma_wait3A_105 = tpu.memref_squeeze %dma_wait3A_104 : memref<1x128xi32, #tpu.memory_space<vmem>> -> memref<128xi32, #tpu.memory_space<vmem>>
        %dma_wait3A_106 = arith.constant 0 : i32
        %dma_wait3A_107 = arith.constant 0 : i32
        %dma_wait3A_108 = tpu.memref_slice %arg11[%dma_wait3A_106, %dma_wait3A_107] : memref<10112x128xf32, #tpu.memory_space<vmem_shared>> -> memref<10112x128xf32, #tpu.memory_space<vmem_shared>>
        tpu.wait_indirect_dma semaphore(%run_scoped3A : memref<!tpu.dma_semaphore, #tpu.memory_space<semaphore_mem>>) src(%arg9 : memref<128x128xf32, #tpu.memory_space<vmem>>) dst(%dma_wait3A_108 : memref<10112x128xf32, #tpu.memory_space<vmem_shared>>)
        tpu.yield
      }) : () -> ()
      %add3A_83 = arith.constant 16 : i32
      %add3A_84 = arith.addi %mul3A_20, %add3A_83 : i32
      %sub3A_85 = arith.constant 1 : i32
      %sub3A_86 = arith.subi %add3A_84, %sub3A_85 : i32
      %dma_wait3A_87 = arith.constant 0 : i32
      %dma_wait3A_88 = tpu.memref_slice %arg7[%sub3A_86, %dma_wait3A_87] : memref<32x128xi32, #tpu.memory_space<vmem>> -> memref<1x128xi32, #tpu.memory_space<vmem>>
      %dma_wait3A_89 = tpu.memref_squeeze %dma_wait3A_88 : memref<1x128xi32, #tpu.memory_space<vmem>> -> memref<128xi32, #tpu.memory_space<vmem>>
      %dma_wait3A_90 = arith.constant 0 : i32
      %dma_wait3A_91 = arith.constant 0 : i32
      %dma_wait3A_92 = tpu.memref_slice %arg2[%dma_wait3A_90, %dma_wait3A_91] : memref<10112x128xf32, #tpu.memory_space<hbm>> -> memref<10112x128xf32, #tpu.memory_space<hbm>>
      tpu.wait_indirect_dma semaphore(%arg13 : memref<!tpu.dma_semaphore, #tpu.memory_space<semaphore_mem>>) src(%dma_wait3A_92 : memref<10112x128xf32, #tpu.memory_space<hbm>>) dst(%arg10 : memref<128x128xf32, #tpu.memory_space<vmem>>)
      %add3A_93 = arith.constant 16 : i32
      %add3A_94 = arith.addi %mul3A_20, %add3A_93 : i32
      %sub3A_95 = arith.constant 1 : i32
      %sub3A_96 = arith.subi %add3A_94, %sub3A_95 : i32
      "tpu.region"() ({
        %run_scoped3A = tpu.sem_alloc : memref<!tpu.dma_semaphore, #tpu.memory_space<semaphore_mem>>
        %dma_start3A_97 = arith.constant 0 : i32
        %dma_start3A_98 = tpu.memref_slice %arg8[%sub3A_96, %dma_start3A_97] : memref<32x128xi32, #tpu.memory_space<vmem>> -> memref<1x128xi32, #tpu.memory_space<vmem>>
        %dma_start3A_99 = tpu.memref_squeeze %dma_start3A_98 : memref<1x128xi32, #tpu.memory_space<vmem>> -> memref<128xi32, #tpu.memory_space<vmem>>
        %dma_start3A_100 = arith.constant 0 : i32
        %dma_start3A_101 = arith.constant 0 : i32
        %dma_start3A_102 = tpu.memref_slice %arg11[%dma_start3A_100, %dma_start3A_101] : memref<10112x128xf32, #tpu.memory_space<vmem_shared>> -> memref<10112x128xf32, #tpu.memory_space<vmem_shared>>
        tpu.enqueue_indirect_dma source(%arg10 : memref<128x128xf32, #tpu.memory_space<vmem>>) target(%dma_start3A_102 : memref<10112x128xf32, #tpu.memory_space<vmem_shared>>) offsets(%dma_start3A_99 : memref<128xi32, #tpu.memory_space<vmem>>) semaphore(%run_scoped3A : memref<!tpu.dma_semaphore, #tpu.memory_space<semaphore_mem>>) {add = true}
        %dma_wait3A_103 = arith.constant 0 : i32
        %dma_wait3A_104 = tpu.memref_slice %arg8[%sub3A_96, %dma_wait3A_103] : memref<32x128xi32, #tpu.memory_space<vmem>> -> memref<1x128xi32, #tpu.memory_space<vmem>>
        %dma_wait3A_105 = tpu.memref_squeeze %dma_wait3A_104 : memref<1x128xi32, #tpu.memory_space<vmem>> -> memref<128xi32, #tpu.memory_space<vmem>>
        %dma_wait3A_106 = arith.constant 0 : i32
        %dma_wait3A_107 = arith.constant 0 : i32
        %dma_wait3A_108 = tpu.memref_slice %arg11[%dma_wait3A_106, %dma_wait3A_107] : memref<10112x128xf32, #tpu.memory_space<vmem_shared>> -> memref<10112x128xf32, #tpu.memory_space<vmem_shared>>
        tpu.wait_indirect_dma semaphore(%run_scoped3A : memref<!tpu.dma_semaphore, #tpu.memory_space<semaphore_mem>>) src(%arg10 : memref<128x128xf32, #tpu.memory_space<vmem>>) dst(%dma_wait3A_108 : memref<10112x128xf32, #tpu.memory_space<vmem_shared>>)
        tpu.yield
      }) : () -> ()
    }
    %scan3A_7 = arith.constant 5 : i32
    %barrier3A_8 = arith.constant 0 : index
    tpu.barrier barrier_id(%barrier3A_8)
    "tpu.region"() ({
      %run_scoped3A = tpu.sem_alloc : memref<!tpu.dma_semaphore, #tpu.memory_space<semaphore_mem>>
      %dma_start3A = arith.constant 0 : i32
      %dma_start3A_9 = tpu.memref_slice %arg6[%arg0, %mul3A_2, %dma_start3A] : memref<2x10112x128xf32, #tpu.memory_space<hbm>> -> memref<1x632x128xf32, #tpu.memory_space<hbm>>
      %dma_start3A_10 = tpu.memref_squeeze %dma_start3A_9 : memref<1x632x128xf32, #tpu.memory_space<hbm>> -> memref<632x128xf32, #tpu.memory_space<hbm>>
      %dma_start3A_11 = arith.constant 0 : i32
      %dma_start3A_12 = tpu.memref_slice %arg11[%mul3A_2, %dma_start3A_11] : memref<10112x128xf32, #tpu.memory_space<vmem_shared>> -> memref<632x128xf32, #tpu.memory_space<vmem_shared>>
      tpu.enqueue_dma source(%dma_start3A_12 : memref<632x128xf32, #tpu.memory_space<vmem_shared>>) target(%dma_start3A_10 : memref<632x128xf32, #tpu.memory_space<hbm>>) target_semaphore(%run_scoped3A : memref<!tpu.dma_semaphore, #tpu.memory_space<semaphore_mem>>)
      %dma_wait3A = arith.constant 0 : i32
      %dma_wait3A_13 = tpu.memref_slice %arg6[%arg0, %mul3A_2, %dma_wait3A] : memref<2x10112x128xf32, #tpu.memory_space<hbm>> -> memref<1x632x128xf32, #tpu.memory_space<hbm>>
      %dma_wait3A_14 = tpu.memref_squeeze %dma_wait3A_13 : memref<1x632x128xf32, #tpu.memory_space<hbm>> -> memref<632x128xf32, #tpu.memory_space<hbm>>
      %dma_wait3A_15 = arith.constant 0 : i32
      %dma_wait3A_16 = tpu.memref_slice %arg11[%mul3A_2, %dma_wait3A_15] : memref<10112x128xf32, #tpu.memory_space<vmem_shared>> -> memref<632x128xf32, #tpu.memory_space<vmem_shared>>
      tpu.wait_dma2 semaphore(%run_scoped3A : memref<!tpu.dma_semaphore, #tpu.memory_space<semaphore_mem>>) src(%dma_wait3A_16 : memref<632x128xf32, #tpu.memory_space<vmem_shared>>) dst(%dma_wait3A_14 : memref<632x128xf32, #tpu.memory_space<hbm>>)
      tpu.yield
    }) : () -> ()
    return
  }
}

module attributes {stable_mosaic.version = 14 : i64} {
  func.func @_tc_prep_body(%arg0: i32, %arg1: memref<2x400x128xf32, #tpu.memory_space<vmem>>, %arg2: memref<400x128xf32, #tpu.memory_space<vmem>>, %arg3: memref<400x128xf32, #tpu.memory_space<vmem>>) attributes {dimension_semantics = [#tpu.dimension_semantics<arbitrary>], iteration_bounds = array<i64: 25>, scalar_prefetch = 0 : i64, scratch_operands = 0 : i64, tpu.core_type = #tpu.core_type<tc>, window_params = [{transform_indices = @transform_0, window_bounds = array<i64: 2, 400, 128>}, {transform_indices = @transform_1, window_bounds = array<i64: 400, 128>}, {transform_indices = @transform_2, window_bounds = array<i64: 400, 128>}]} {
    %get3A = arith.constant 0 : index
    %get3A_0 = arith.constant 0 : index
    %get3A_1 = vector.load %arg2[%get3A, %get3A_0] : memref<400x128xf32, #tpu.memory_space<vmem>>, vector<400x128xf32>
    %get3A_2 = arith.constant 0 : index
    %get3A_3 = arith.constant 0 : index
    %get3A_4 = arith.constant 0 : index
    %get3A_5 = vector.load %arg1[%get3A_2, %get3A_3, %get3A_4] : memref<2x400x128xf32, #tpu.memory_space<vmem>>, vector<1x400x1xf32>
    %get3A_6 = vector.shape_cast %get3A_5 : vector<1x400x1xf32> to vector<400x1xf32>
    %get3A_7 = arith.constant 1 : index
    %get3A_8 = arith.constant 0 : index
    %get3A_9 = arith.constant 0 : index
    %get3A_10 = vector.load %arg1[%get3A_7, %get3A_8, %get3A_9] : memref<2x400x128xf32, #tpu.memory_space<vmem>>, vector<1x400x1xf32>
    %get3A_11 = vector.shape_cast %get3A_10 : vector<1x400x1xf32> to vector<400x1xf32>
    %add3A = arith.addf %get3A_6, %get3A_11 : vector<400x1xf32>
    %add3A_12 = arith.constant 1.000000e+00 : f32
    %add3A_13 = vector.broadcast %add3A_12 : f32 to vector<400x1xf32>
    %add3A_14 = arith.addf %add3A, %add3A_13 : vector<400x1xf32>
    %rsqrt3A = math.rsqrt %add3A_14 : vector<400x1xf32>
    %mul3A = vector.broadcast %rsqrt3A : vector<400x1xf32> to vector<400x128xf32>
    %mul3A_15 = arith.mulf %get3A_1, %mul3A : vector<400x128xf32>
    %swap3A = arith.constant 0 : index
    %swap3A_16 = arith.constant 0 : index
    %swap3A_17 = vector.load %arg3[%swap3A, %swap3A_16] : memref<400x128xf32, #tpu.memory_space<vmem>>, vector<400x128xf32>
    tpu.vector_store %arg3[%swap3A, %swap3A_16], %mul3A_15 {strides = array<i32>} : memref<400x128xf32, #tpu.memory_space<vmem>>, vector<400x128xf32>,
    return
  }
  func.func @transform_0(%arg0: i32) -> (i32, i32, i32) {
    %c0_i32 = arith.constant 0 : i32
    %c0_i32_0 = arith.constant 0 : i32
    %c0_i32_1 = arith.constant 0 : i32
    return %c0_i32, %arg0, %c0_i32_0 : i32, i32, i32
  }
  func.func @transform_1(%arg0: i32) -> (i32, i32) {
    %c0_i32 = arith.constant 0 : i32
    %c0_i32_0 = arith.constant 0 : i32
    return %arg0, %c0_i32 : i32, i32
  }
  func.func @transform_2(%arg0: i32) -> (i32, i32) {
    %c0_i32 = arith.constant 0 : i32
    %c0_i32_0 = arith.constant 0 : i32
    return %arg0, %c0_i32 : i32, i32
  }
}

module attributes {stable_mosaic.version = 14 : i64} {
  func.func @_tc_mm1_body(%arg0: i32, %arg1: memref<2x400x128xf32, #tpu.memory_space<vmem>>, %arg2: memref<2x400x128xf32, #tpu.memory_space<vmem>>, %arg3: memref<400x128xf32, #tpu.memory_space<vmem>>, %arg4: memref<128x256xf32, #tpu.memory_space<vmem>>, %arg5: memref<1x256xf32, #tpu.memory_space<vmem>>, %arg6: memref<256x128xf32, #tpu.memory_space<vmem>>, %arg7: memref<400x128xf32, #tpu.memory_space<vmem>>, %arg8: memref<400x128xf32, #tpu.memory_space<vmem>>) attributes {dimension_semantics = [#tpu.dimension_semantics<arbitrary>], iteration_bounds = array<i64: 25>, scalar_prefetch = 0 : i64, scratch_operands = 0 : i64, tpu.core_type = #tpu.core_type<tc>, window_params = [{transform_indices = @transform_0, window_bounds = array<i64: 2, 400, 128>}, {transform_indices = @transform_1, window_bounds = array<i64: 2, 400, 128>}, {transform_indices = @transform_2, window_bounds = array<i64: 400, 128>}, {pipeline_mode = #tpu.pipeline_mode<synchronous>, transform_indices = @transform_3, window_bounds = array<i64: 128, 256>}, {pipeline_mode = #tpu.pipeline_mode<synchronous>, transform_indices = @transform_4, window_bounds = array<i64: 1, 256>}, {pipeline_mode = #tpu.pipeline_mode<synchronous>, transform_indices = @transform_5, window_bounds = array<i64: 256, 128>}, {transform_indices = @transform_6, window_bounds = array<i64: 400, 128>}, {transform_indices = @transform_7, window_bounds = array<i64: 400, 128>}]} {
    %get3A = arith.constant 0 : index
    %get3A_0 = arith.constant 0 : index
    %get3A_1 = arith.constant 0 : index
    %get3A_2 = vector.load %arg1[%get3A, %get3A_0, %get3A_1] : memref<2x400x128xf32, #tpu.memory_space<vmem>>, vector<1x400x1xf32>
    %get3A_3 = vector.shape_cast %get3A_2 : vector<1x400x1xf32> to vector<400x1xf32>
    %get3A_4 = arith.constant 1 : index
    %get3A_5 = arith.constant 0 : index
    %get3A_6 = arith.constant 0 : index
    %get3A_7 = vector.load %arg1[%get3A_4, %get3A_5, %get3A_6] : memref<2x400x128xf32, #tpu.memory_space<vmem>>, vector<1x400x1xf32>
    %get3A_8 = vector.shape_cast %get3A_7 : vector<1x400x1xf32> to vector<400x1xf32>
    %add3A = arith.addf %get3A_3, %get3A_8 : vector<400x1xf32>
    %add3A_9 = arith.constant 1.000000e+00 : f32
    %add3A_10 = vector.broadcast %add3A_9 : f32 to vector<400x1xf32>
    %add3A_11 = arith.addf %add3A, %add3A_10 : vector<400x1xf32>
    %rsqrt3A = math.rsqrt %add3A_11 : vector<400x1xf32>
    %get3A_12 = arith.constant 0 : index
    %get3A_13 = arith.constant 0 : index
    %get3A_14 = arith.constant 0 : index
    %get3A_15 = vector.load %arg2[%get3A_12, %get3A_13, %get3A_14] : memref<2x400x128xf32, #tpu.memory_space<vmem>>, vector<1x400x128xf32>
    %get3A_16 = vector.shape_cast %get3A_15 : vector<1x400x128xf32> to vector<400x128xf32>
    %get3A_17 = arith.constant 1 : index
    %get3A_18 = arith.constant 0 : index
    %get3A_19 = arith.constant 0 : index
    %get3A_20 = vector.load %arg2[%get3A_17, %get3A_18, %get3A_19] : memref<2x400x128xf32, #tpu.memory_space<vmem>>, vector<1x400x128xf32>
    %get3A_21 = vector.shape_cast %get3A_20 : vector<1x400x128xf32> to vector<400x128xf32>
    %add3A_22 = arith.addf %get3A_16, %get3A_21 : vector<400x128xf32>
    %mul3A = vector.broadcast %rsqrt3A : vector<400x1xf32> to vector<400x128xf32>
    %mul3A_23 = arith.mulf %mul3A, %add3A_22 : vector<400x128xf32>
    %mul3A_24 = arith.mulf %rsqrt3A, %rsqrt3A : vector<400x1xf32>
    %get3A_25 = arith.constant 0 : index
    %get3A_26 = arith.constant 0 : index
    %get3A_27 = vector.load %arg3[%get3A_25, %get3A_26] : memref<400x128xf32, #tpu.memory_space<vmem>>, vector<400x128xf32>
    %mul3A_28 = vector.broadcast %mul3A_24 : vector<400x1xf32> to vector<400x128xf32>
    %mul3A_29 = arith.mulf %mul3A_28, %get3A_27 : vector<400x128xf32>
    %add3A_30 = arith.addf %mul3A_23, %mul3A_29 : vector<400x128xf32>
    %get3A_31 = arith.constant 0 : index
    %get3A_32 = arith.constant 0 : index
    %get3A_33 = vector.load %arg4[%get3A_31, %get3A_32] : memref<128x256xf32, #tpu.memory_space<vmem>>, vector<128x256xf32>
    %dot_general3A = arith.constant dense<0.000000e+00> : vector<400x256xf32>
    %dot_general3A_34 = tpu.matmul %add3A_30, %get3A_33, %dot_general3A {dimension_numbers = #tpu.dot_dimension_numbers<[1], [0], [0], [1], [0, 0, 1, 1], [], []>, transpose_lhs_hint = false} : vector<400x128xf32>, vector<128x256xf32>, vector<400x256xf32> -> vector<400x256xf32>
    %get3A_35 = arith.constant 0 : index
    %get3A_36 = arith.constant 0 : index
    %get3A_37 = vector.load %arg5[%get3A_35, %get3A_36] : memref<1x256xf32, #tpu.memory_space<vmem>>, vector<1x256xf32>
    %add3A_38 = vector.broadcast %get3A_37 : vector<1x256xf32> to vector<400x256xf32>
    %add3A_39 = arith.addf %dot_general3A_34, %add3A_38 : vector<400x256xf32>
    %max3A = arith.constant 0.000000e+00 : f32
    %max3A_40 = vector.broadcast %max3A : f32 to vector<400x256xf32>
    %max3A_41 = arith.maximumf %add3A_39, %max3A_40 : vector<400x256xf32>
    %get3A_42 = arith.constant 0 : index
    %get3A_43 = arith.constant 0 : index
    %get3A_44 = vector.load %arg6[%get3A_42, %get3A_43] : memref<256x128xf32, #tpu.memory_space<vmem>>, vector<256x128xf32>
    %dot_general3A_45 = arith.constant dense<0.000000e+00> : vector<400x128xf32>
    %dot_general3A_46 = tpu.matmul %max3A_41, %get3A_44, %dot_general3A_45 {dimension_numbers = #tpu.dot_dimension_numbers<[1], [0], [0], [1], [0, 0, 1, 1], [], []>, transpose_lhs_hint = false} : vector<400x256xf32>, vector<256x128xf32>, vector<400x128xf32> -> vector<400x128xf32>
    %swap3A = arith.constant 0 : index
    %swap3A_47 = arith.constant 0 : index
    %swap3A_48 = vector.load %arg7[%swap3A, %swap3A_47] : memref<400x128xf32, #tpu.memory_space<vmem>>, vector<400x128xf32>
    tpu.vector_store %arg7[%swap3A, %swap3A_47], %dot_general3A_46 {strides = array<i32>} : memref<400x128xf32, #tpu.memory_space<vmem>>, vector<400x128xf32>,
    %mul3A_49 = vector.broadcast %rsqrt3A : vector<400x1xf32> to vector<400x128xf32>
    %mul3A_50 = arith.mulf %dot_general3A_46, %mul3A_49 : vector<400x128xf32>
    %swap3A_51 = arith.constant 0 : index
    %swap3A_52 = arith.constant 0 : index
    %swap3A_53 = vector.load %arg8[%swap3A_51, %swap3A_52] : memref<400x128xf32, #tpu.memory_space<vmem>>, vector<400x128xf32>
    tpu.vector_store %arg8[%swap3A_51, %swap3A_52], %mul3A_50 {strides = array<i32>} : memref<400x128xf32, #tpu.memory_space<vmem>>, vector<400x128xf32>,
    return
  }
  func.func @transform_0(%arg0: i32) -> (i32, i32, i32) {
    %c0_i32 = arith.constant 0 : i32
    %c0_i32_0 = arith.constant 0 : i32
    %c0_i32_1 = arith.constant 0 : i32
    return %c0_i32, %arg0, %c0_i32_0 : i32, i32, i32
  }
  func.func @transform_1(%arg0: i32) -> (i32, i32, i32) {
    %c0_i32 = arith.constant 0 : i32
    %c0_i32_0 = arith.constant 0 : i32
    %c0_i32_1 = arith.constant 0 : i32
    return %c0_i32, %arg0, %c0_i32_0 : i32, i32, i32
  }
  func.func @transform_2(%arg0: i32) -> (i32, i32) {
    %c0_i32 = arith.constant 0 : i32
    %c0_i32_0 = arith.constant 0 : i32
    return %arg0, %c0_i32 : i32, i32
  }
  func.func @transform_3(%arg0: i32) -> (i32, i32) {
    %c0_i32 = arith.constant 0 : i32
    %c0_i32_0 = arith.constant 0 : i32
    %c0_i32_1 = arith.constant 0 : i32
    return %c0_i32, %c0_i32_0 : i32, i32
  }
  func.func @transform_4(%arg0: i32) -> (i32, i32) {
    %c0_i32 = arith.constant 0 : i32
    %c0_i32_0 = arith.constant 0 : i32
    %c0_i32_1 = arith.constant 0 : i32
    return %c0_i32, %c0_i32_0 : i32, i32
  }
  func.func @transform_5(%arg0: i32) -> (i32, i32) {
    %c0_i32 = arith.constant 0 : i32
    %c0_i32_0 = arith.constant 0 : i32
    %c0_i32_1 = arith.constant 0 : i32
    return %c0_i32, %c0_i32_0 : i32, i32
  }
  func.func @transform_6(%arg0: i32) -> (i32, i32) {
    %c0_i32 = arith.constant 0 : i32
    %c0_i32_0 = arith.constant 0 : i32
    return %arg0, %c0_i32 : i32, i32
  }
  func.func @transform_7(%arg0: i32) -> (i32, i32) {
    %c0_i32 = arith.constant 0 : i32
    %c0_i32_0 = arith.constant 0 : i32
    return %arg0, %c0_i32 : i32, i32
  }
}

module attributes {stable_mosaic.version = 14 : i64} {
  func.func @_tc_mm2_body(%arg0: i32, %arg1: memref<2x400x128xf32, #tpu.memory_space<vmem>>, %arg2: memref<2x400x128xf32, #tpu.memory_space<vmem>>, %arg3: memref<400x128xf32, #tpu.memory_space<vmem>>, %arg4: memref<1x128xf32, #tpu.memory_space<vmem>>, %arg5: memref<400x128xf32, #tpu.memory_space<vmem>>) attributes {dimension_semantics = [#tpu.dimension_semantics<arbitrary>], iteration_bounds = array<i64: 25>, scalar_prefetch = 0 : i64, scratch_operands = 0 : i64, tpu.core_type = #tpu.core_type<tc>, window_params = [{transform_indices = @transform_0, window_bounds = array<i64: 2, 400, 128>}, {transform_indices = @transform_1, window_bounds = array<i64: 2, 400, 128>}, {transform_indices = @transform_2, window_bounds = array<i64: 400, 128>}, {pipeline_mode = #tpu.pipeline_mode<synchronous>, transform_indices = @transform_3, window_bounds = array<i64: 1, 128>}, {transform_indices = @transform_4, window_bounds = array<i64: 400, 128>}]} {
    %get3A = arith.constant 0 : index
    %get3A_0 = arith.constant 0 : index
    %get3A_1 = arith.constant 0 : index
    %get3A_2 = vector.load %arg1[%get3A, %get3A_0, %get3A_1] : memref<2x400x128xf32, #tpu.memory_space<vmem>>, vector<1x400x1xf32>
    %get3A_3 = vector.shape_cast %get3A_2 : vector<1x400x1xf32> to vector<400x1xf32>
    %get3A_4 = arith.constant 1 : index
    %get3A_5 = arith.constant 0 : index
    %get3A_6 = arith.constant 0 : index
    %get3A_7 = vector.load %arg1[%get3A_4, %get3A_5, %get3A_6] : memref<2x400x128xf32, #tpu.memory_space<vmem>>, vector<1x400x1xf32>
    %get3A_8 = vector.shape_cast %get3A_7 : vector<1x400x1xf32> to vector<400x1xf32>
    %add3A = arith.addf %get3A_3, %get3A_8 : vector<400x1xf32>
    %add3A_9 = arith.constant 1.000000e+00 : f32
    %add3A_10 = vector.broadcast %add3A_9 : f32 to vector<400x1xf32>
    %add3A_11 = arith.addf %add3A, %add3A_10 : vector<400x1xf32>
    %rsqrt3A = math.rsqrt %add3A_11 : vector<400x1xf32>
    %get3A_12 = arith.constant 0 : index
    %get3A_13 = arith.constant 0 : index
    %get3A_14 = arith.constant 0 : index
    %get3A_15 = vector.load %arg2[%get3A_12, %get3A_13, %get3A_14] : memref<2x400x128xf32, #tpu.memory_space<vmem>>, vector<1x400x128xf32>
    %get3A_16 = vector.shape_cast %get3A_15 : vector<1x400x128xf32> to vector<400x128xf32>
    %get3A_17 = arith.constant 1 : index
    %get3A_18 = arith.constant 0 : index
    %get3A_19 = arith.constant 0 : index
    %get3A_20 = vector.load %arg2[%get3A_17, %get3A_18, %get3A_19] : memref<2x400x128xf32, #tpu.memory_space<vmem>>, vector<1x400x128xf32>
    %get3A_21 = vector.shape_cast %get3A_20 : vector<1x400x128xf32> to vector<400x128xf32>
    %add3A_22 = arith.addf %get3A_16, %get3A_21 : vector<400x128xf32>
    %mul3A = vector.broadcast %rsqrt3A : vector<400x1xf32> to vector<400x128xf32>
    %mul3A_23 = arith.mulf %mul3A, %add3A_22 : vector<400x128xf32>
    %mul3A_24 = arith.mulf %rsqrt3A, %rsqrt3A : vector<400x1xf32>
    %get3A_25 = arith.constant 0 : index
    %get3A_26 = arith.constant 0 : index
    %get3A_27 = vector.load %arg3[%get3A_25, %get3A_26] : memref<400x128xf32, #tpu.memory_space<vmem>>, vector<400x128xf32>
    %mul3A_28 = vector.broadcast %mul3A_24 : vector<400x1xf32> to vector<400x128xf32>
    %mul3A_29 = arith.mulf %mul3A_28, %get3A_27 : vector<400x128xf32>
    %add3A_30 = arith.addf %mul3A_23, %mul3A_29 : vector<400x128xf32>
    %get3A_31 = arith.constant 0 : index
    %get3A_32 = arith.constant 0 : index
    %get3A_33 = vector.load %arg4[%get3A_31, %get3A_32] : memref<1x128xf32, #tpu.memory_space<vmem>>, vector<1x128xf32>
    %add3A_34 = vector.broadcast %get3A_33 : vector<1x128xf32> to vector<400x128xf32>
    %add3A_35 = arith.addf %add3A_30, %add3A_34 : vector<400x128xf32>
    %swap3A = arith.constant 0 : index
    %swap3A_36 = arith.constant 0 : index
    %swap3A_37 = vector.load %arg5[%swap3A, %swap3A_36] : memref<400x128xf32, #tpu.memory_space<vmem>>, vector<400x128xf32>
    tpu.vector_store %arg5[%swap3A, %swap3A_36], %add3A_35 {strides = array<i32>} : memref<400x128xf32, #tpu.memory_space<vmem>>, vector<400x128xf32>,
    return
  }
  func.func @transform_0(%arg0: i32) -> (i32, i32, i32) {
    %c0_i32 = arith.constant 0 : i32
    %c0_i32_0 = arith.constant 0 : i32
    %c0_i32_1 = arith.constant 0 : i32
    return %c0_i32, %arg0, %c0_i32_0 : i32, i32, i32
  }
  func.func @transform_1(%arg0: i32) -> (i32, i32, i32) {
    %c0_i32 = arith.constant 0 : i32
    %c0_i32_0 = arith.constant 0 : i32
    %c0_i32_1 = arith.constant 0 : i32
    return %c0_i32, %arg0, %c0_i32_0 : i32, i32, i32
  }
  func.func @transform_2(%arg0: i32) -> (i32, i32) {
    %c0_i32 = arith.constant 0 : i32
    %c0_i32_0 = arith.constant 0 : i32
    return %arg0, %c0_i32 : i32, i32
  }
  func.func @transform_3(%arg0: i32) -> (i32, i32) {
    %c0_i32 = arith.constant 0 : i32
    %c0_i32_0 = arith.constant 0 : i32
    %c0_i32_1 = arith.constant 0 : i32
    return %c0_i32, %c0_i32_0 : i32, i32
  }
  func.func @transform_4(%arg0: i32) -> (i32, i32) {
    %c0_i32 = arith.constant 0 : i32
    %c0_i32_0 = arith.constant 0 : i32
    return %arg0, %c0_i32 : i32, i32
  }
}

</mosaic_0001>

<sc_bundles>
// kernel: kernel.11.cloned.1.call-start
scs
__scs_entry_jumppad:
0x0: {  	(pc) =	sbr.rel $0x88, $3  }
0x1: {  	(tag) =	ssettag $0x0;
	lr =	simm.s32 $0x1  }
0x2: {  	[smem:$0x3F99] =	sst lr;
	_ =	strace $0xD0000000  }
0x3: {  	_ = 	snop  }
0x4: {  	_ = 	snop  }
0x5: {  	_ = 	snop  }
0x6: {  	_ = 	snop  }
0x7: {  	_ = 	snop  }
__scs_overlays_trampoline_lowered:
0x8: {  	[smem:$0x3FA8] =	sst s0  }
0x9: {  	[smem:$0x3FA9] =	sst s1  }
0xa: {  	[smem:$0x3FAA] =	sst s2  }
0xb: {  	[smem:$0x3FAB] =	sst s3  }
0xc: {  	[smem:$0x3FAC] =	sst s4  }
0xd: {  	[smem:$0x3FAD] =	sst s5  }
0xe: {  	[smem:$0x3FAE] =	sst s6  }
0xf: {  	[smem:$0x3FAF] =	sst s7  }
0x10: {  	[smem:$0x3FB0] =	sst s8  }
0x11: {  	[smem:$0x3FB1] =	sst s9;
	s0 =	simm.s32 @!p0 $0x0  }
0x12: {  	s1 =	sld [smem:$0x3F97];
	s0 =	simm.s32 @p0 $0x1  }
0x13: {  	[smem:$0x3FB2] =	sst s0;
	s0 =	simm.s32 @!p1 $0x0  }
0x14: {  	s2 =	sld [smem:$0x3F96];
	s0 =	simm.s32 @p1 $0x1  }
0x15: {  	[smem:$0x3FB3] =	sst s0;
	s0 =	simm.s32 @!p2 $0x0  }
0x16: {  	s3 =	sld [smem:$0x3FDB];
	s0 =	simm.s32 @p2 $0x1  }
0x17: {  	s4 =	simm.s32 $0x1BF5;
	[smem:$0x3FB5] =	sst s0  }
0x18: {  	s0 =	sld [smem:$0x3F98];
	_ =	swait.ge [sflag:s4], $0x0  }
0x19: {  	s7 =	sld [smem:$0x3F99]  }
0x1a: {  	s8 =	sadd.s32 $0xFFFFE003, lr  }
0x1b: {  	s9 =	sadd.s32 $0xFFFFFEF7, lr;
	s5 =	simm.s32 $0xFFFFFFFF;
	p2 =	slt.u32 s8, $0xFFFFF086  }
0x1c: {  	p1 =	slt.u32 s9, $0xF7A;
	s5 =	simm.s32 @!p2 $0x0  }
0x1d: {  	s5 =	simm.s32 @p1 $0x1;
	p0 =	seq.s32 s7, s2  }
0x1e: {  	s7 =	smul.u32 @!p0 $0xF7A, s2;
	p2 =	seq.s32 @!p0 s5, $0x0  }
0x1f: {  	s9 =	smul.u32 $0xF7A, s1;
	s8 =	simm.s32 @!p0 $0x1BF5;
	p2 =	por !p2, p0  }
0x20: {  	[sflag:s8] =	ssyncset.s32 @!p0 $0xFFFFF086;
	s6 =	sadd.s32 @!p0 s3, s7;
	s7 =	simm.s32 @!p0 $0x108  }
0x21: {  	s3 =	sadd.s32 s3, s9;
	s6 =	sadd.s32 @!p0 $0x88, s6;
	s7 =	simm.s32 @p2 $0x1082  }
0x22: {  	[simem:s7], [sflag:s8] =	dma.local @!p0 [hbm:s6], $0xF7A  }
0x23: {  	s9 =	sor.u32 $0xD0000000, s2;
	s6 =	simm.s32 $0x108;
	_ =	swait.ge @!p0 [sflag:s8], $0x0  }
0x24: {  	s3 =	sadd.s32 $0x88, s3;
	s6 =	simm.s32 @!p1 $0x1082;
	[sflag:s4] =	ssyncset.s32 $0xFFFFF086  }
0x25: {  	[simem:s6], [sflag:s4] =	dma.local [hbm:s3], $0xF7A  }
0x26: {  	[smem:$0x3F99] =	sst s1;
	(tag) =	ssettag s2;
	_ =	strace s9  }
0x27: {  	s1 =	sld [smem:$0x3FA9]  }
0x28: {  	s2 =	sld [smem:$0x3FAA]  }
0x29: {  	s4 =	sld [smem:$0x3FAC]  }
0x2a: {  	p0 =	seq.s32 s5, $0x0;
	s5 =	sld [smem:$0x3FAD]  }
0x2b: {  	s6 =	sld [smem:$0x3FAE]  }
0x2c: {  	s7 =	sld [smem:$0x3FAF]  }
0x2d: {  	s3 =	simm.s32 $0x108;
	s8 =	sld [smem:$0x3FB0]  }
0x2e: {  	s3 =	simm.s32 @!p0 $0x1082;
	s9 =	sld [smem:$0x3FB1]  }
0x2f: {  	lr =	sadd.s32 s0, s3;
	s0 =	sld [smem:$0x3FA8]  }
0x30: {  	s3 =	sld [smem:$0x3FAB]  }
0x31: {  	[smem:$0x3FB4] =	sst s10  }
0x32: {  	s10 =	sld [smem:$0x3FB2];
	_ =	sdelay $0x3  }
0x33: {  	p0 =	seq.s32 s10, $0x1;
	s10 =	sld [smem:$0x3FB4];
	_ =	sdelay $0x3  }
0x34: {  	[smem:$0x3FB4] =	sst s10  }
0x35: {  	s10 =	sld [smem:$0x3FB3];
	_ =	sdelay $0x3  }
0x36: {  	p1 =	seq.s32 s10, $0x1;
	s10 =	sld [smem:$0x3FB4];
	_ =	sdelay $0x3  }
0x37: {  	[smem:$0x3FB4] =	sst s10  }
0x38: {  	s10 =	sld [smem:$0x3FB5]  }
0x39: {  	_ = 	snop;
	(pc) =	sbr.ind lr, $3  }
0x3a: {  	_ = 	snop  }
0x3b: {  	_ = 	snop  }
0x3c: {  	p2 =	seq.s32 s10, $0x1;
	s10 =	sld [smem:$0x3FB4]  }
0x3d: {  	_ =	shalt  }
0x3e: {  	_ =	shalt  }
0x3f: {  	_ =	shalt  }
0x40: {  	_ =	shalt  }
0x41: {  	_ =	shalt  }
0x42: {  	_ =	shalt  }
0x43: {  	_ =	shalt  }
0x44: {  	_ =	shalt  }
0x45: {  	_ =	shalt  }
0x46: {  	_ =	shalt  }
0x47: {  	_ =	shalt  }
0x48: {  	_ =	shalt  }
0x49: {  	_ =	shalt  }
0x4a: {  	_ =	shalt  }
0x4b: {  	_ =	shalt  }
0x4c: {  	_ =	shalt  }
0x4d: {  	_ =	shalt  }
0x4e: {  	_ =	shalt  }
0x4f: {  	_ =	shalt  }
0x50: {  	_ =	shalt  }
0x51: {  	_ =	shalt  }
0x52: {  	_ =	shalt  }
0x53: {  	_ =	shalt  }
0x54: {  	_ =	shalt  }
0x55: {  	_ =	shalt  }
0x56: {  	_ =	shalt  }
0x57: {  	_ =	shalt  }
0x58: {  	_ =	shalt  }
0x59: {  	_ =	shalt  }
0x5a: {  	_ =	shalt  }
0x5b: {  	_ =	shalt  }
0x5c: {  	_ =	shalt  }
0x5d: {  	_ =	shalt  }
0x5e: {  	_ =	shalt  }
0x5f: {  	_ =	shalt  }
0x60: {  	_ =	shalt  }
0x61: {  	_ =	shalt  }
0x62: {  	_ =	shalt  }
0x63: {  	_ =	shalt  }
0x64: {  	_ =	shalt  }
0x65: {  	_ =	shalt  }
0x66: {  	_ =	shalt  }
0x67: {  	_ =	shalt  }
0x68: {  	_ =	shalt  }
0x69: {  	_ =	shalt  }
0x6a: {  	_ =	shalt  }
0x6b: {  	_ =	shalt  }
0x6c: {  	_ =	shalt  }
0x6d: {  	_ =	shalt  }
0x6e: {  	_ =	shalt  }
0x6f: {  	_ =	shalt  }
0x70: {  	_ =	shalt  }
0x71: {  	_ =	shalt  }
0x72: {  	_ =	shalt  }
0x73: {  	_ =	shalt  }
0x74: {  	_ =	shalt  }
0x75: {  	_ =	shalt  }
0x76: {  	_ =	shalt  }
0x77: {  	_ =	shalt  }
0x78: {  	_ =	shalt  }
0x79: {  	_ =	shalt  }
0x7a: {  	_ =	shalt  }
0x7b: {  	_ =	shalt  }
0x7c: {  	_ =	shalt  }
0x7d: {  	_ =	shalt  }
0x7e: {  	_ =	shalt  }
0x7f: {  	_ =	shalt  }
0x80: {  	_ =	shalt  }
0x81: {  	_ =	shalt  }
0x82: {  	_ =	shalt  }
0x83: {  	_ =	shalt  }
0x84: {  	_ =	shalt  }
0x85: {  	_ =	shalt  }
0x86: {  	_ =	shalt  }
0x87: {  	_ =	shalt  }
.Lfunc_end0:
.L_simem_size_0:
called_computation.1_lowered:
.L_overlay_start_0:
0x88: {  	s2 =	sld [smem:$0x3FD9]  }
0x89: {  	s3 =	sld [smem:$0x3FFE];
	_ =	sdelay $0x1  }
0x8a: {  	s1 =	srdreg.scid  }
0x8b: {  	s0 =	sand.u32 $0x1, s1  }
0x8c: {  	s14 =	sshll.u32 s0, $0xA;
	s2 =	sadd.s32 s3, s2  }
0x8d: {  	s2 =	sadd.s32 s2, s14  }
0x8e: {  	[smem:$0x3FC0] =	sst s2  }
0x8f: {  	_ = 	snop  }
0x90: {  	s2 =	sld [smem:$0x3FD0];
	_ =	sdelay $0x2  }
0x91: {  	s15 =	simm.s32 $0xA;
	s4 =	simm.s32 $0x10  }
0x92: {  	[smem:s4], [sflag:s15] =	dma.local [hbm:s2], $0x1  }
0x93: {  	_ =	swait.eq [sflag:s15], $0x1  }
0x94: {  	[sflag:s15] =	ssyncset.done $0x0  }
0x95: {  	s16 =	sld [smem:$0x10];
	[sflag:s15] =	ssyncadd.s32 $0xFFFFFFFF  }
0x96: {  	s17 =	sld [smem:$0x11];
	(tm) =	ssettm $0x1  }
0x97: {  	s18 =	sld [smem:$0x3FFB];
	_ =	sdelay $0x3  }
0x98: {  	_ =	strace s18  }
0x99: {  	s4 =	sld [smem:$0x3FFC];
	_ =	sdelay $0x3  }
0x9a: {  	_ =	strace s4  }
0x9b: {  	s4 =	sld [smem:$0x3FFD];
	_ =	sdelay $0x3  }
0x9c: {  	_ =	strace s4  }
0x9d: {  	_ =	strace $0x8FFFFFFF  }
0x9e: {  	s19 =	sld [smem:$0x3FDB];
	_ =	sdelay $0x1  }
0x9f: {  	s5 =	simm.s32 $_scs_section_size  }
0xa0: {  	s6 =	simm.s32 $_size__tile_overlayer_lowered;
	s7 =	simm.s32 $_tile_overlayer_lowered  }
0xa1: {  	s22 =	simm.s32 $0x1BFF;
	s21 =	sshll.u32 s7, $0x1;
	s4 =	sadd.s32 s5, s19  }
0xa2: {  	s8 =	simm.s32 $0x0;
	s20 =	sshll.u32 s6, $0x1;
	s6 =	sadd.s32 s21, s4  }
0xa3: {  	[timem:s8], [sflag:s22] =	dma.local [hbm:s6], s20  }
0xa4: {  	_ =	swait.ge [sflag:s22], s20  }
0xa5: {  	s5 =	ssub.s32 $0x0, s20;
	[sflag:s22] =	ssyncset.done $0x0  }
0xa6: {  	[sflag:s22] =	ssyncadd.s32 s5;
	_ =	sdelay $0x1  }
0xa7: {  	s23 =	simm.s32 $0x1B8B  }
0xa8: {  	_ =	swait.ge [sflag:s23], $0x1  }
0xa9: {  	[sflag:s23] =	ssyncset.done $0x0  }
0xaa: {  	s25 =	simm.s32 $0x1B8E;
	s24 =	sld [smem:$0x3FFE];
	[sflag:s23] =	ssyncadd.s32 $0xFFFFFFFF  }
0xab: {  	s26 =	simm.s32 $execute0_lowered;
	[smem:$0x3FD2] =	sst s25  }
0xac: {  	s6 =	sshll.u32 s26, $0x1;
	_ =	strace $0x80000049;
	[dreg:$0x1] =	wrdreg $0xFFFFFFFF  }
0xad: {  	s28 =	simm.s32 $_size_execute0_lowered;
	s4 =	sadd.s32 s4, s6;
	[dreg:$0x0] =	wrdreg $0x0  }
0xae: {  	s6 =	sshll.u32 s28, $0x1;
	[dreg:$0x2] =	wrdreg s4  }
0xaf: {  	[dreg:$0x3] =	wrdreg s6  }
0xb0: {  	[dreg:$0x4] =	wrdreg $0xC0  }
0xb1: {  	_ =	task [dreg:s8], $0x5FFFF  }
0xb2: {  	[dreg:$0x1] =	wrdreg $0xFFFFFFFF  }
0xb3: {  	[dreg:$0x0] =	wrdreg $0x60  }
0xb4: {  	[dreg:$0x2] =	wrdreg s24  }
0xb5: {  	[dreg:$0x3] =	wrdreg s17  }
0xb6: {  	[dreg:$0x4] =	wrdreg s16  }
0xb7: {  	[dreg:$0x5] =	wrdreg $0xA0000  }
0xb8: {  	[dreg:$0x6] =	wrdreg $0x9  }
0xb9: {  	_ =	task.clear_ibuf [dreg:s8], $0x7FFFF;
	_ =	strace $0x90000049  }
0xba: {  	s29 =	simm.s32 $0x9;
	_ =	strace $0x8000004B  }
0xbb: {  	_ =	swait.ge [sflag:s29], $0x1  }
0xbc: {  	[sflag:s29] =	ssyncadd.s32 $0xFFFFFFFF  }
0xbd: {  	_ =	strace $0x9000004B  }
0xbe: {  	_ =	sfence  }
0xbf: {  	s30 =	sld [smem:$0x0];
	_ =	sdelay $0x2  }
0xc0: {  	s31 =	sshll.u32 s1, $0xD;
	s1 =	sshrl.u32 s1, $0x2  }
0xc1: {  	s3 =	sand.u32 $0x4000, s31;
	s1 =	sadd.s32 s1, s30  }
0xc2: {  	s0 =	sor.u32 s3, s0;
	s1 =	sshll.u32 s1, $0x11  }
0xc3: {  	s0 =	sor.u32 s1, s0  }
0xc4: {  	s0 =	sadd.s32 $0x8F2B, s0  }
0xc5: {  	[sflag:s0] =	ssyncadd.remote.s32 $0x1  }
0xc6: {  	_ =	sfence.sel $0xFFFF  }
0xc7: {  	[dreg:$0x0] =	wrdreg $0xFFFFFFFF;
	(pc) =	sbr.abs _section_cstart, $3  }
0xc8: {  	[dreg:$0x1] =	wrdreg $0xFFFFFFFF  }
0xc9: {  	_ =	task.clear_ibuf [dreg:s8], $0x2FFFF;
	_ =	strace $0x9FFFFFFF  }
0xca: {  	(tm) =	ssettm $0x7FFFFFFF  }
0xcb: {  	_ =	shalt  }
tec
execute0_lowered:
.L_overlay_start_1:
0x0: {  	(tag) =	ssettag $0x1  }
0x1: {  	s7 =	rddreg [dreg:$0x0]  }
0x2: {  	s1 =	rddreg [dreg:$0x1]  }
0x3: {  	s2 =	rddreg [dreg:$0x2]  }
0x4: {  	s4 =	rddreg [dreg:$0x3]  }
0x5: {  	s0 =	rddreg [dreg:$0x4];
	s5 =	simm.s32 $0x0  }
0x6: {  	s3 =	stileid.u32;
	s6 =	srdreg.scid;
	s17 =	simm.s32 $0x80  }
0x7: {  	s18 =	simm.s32 $0x2000;
	s19 =	simm.s32 $0x6000;
	s20 =	simm.s32 $0x1  }
0x8: {  	s21 =	simm.s32 $0x2;
	s22 =	simm.s32 $0x0;
	s8 =	smul.u32 $0x13C00, s3  }
0x9: {  	[smem:$0x7FF] =	sst s5;
	s9 =	sand.u32 $0x1, s6;
	s14 =	smul.u32 $0x4F000, s3  }
0xa: {  	s6 =	sadd.s32 $0x7A000, s7;
	s30 =	smul.u32 $0x2800, s3;
	s31 =	sshll.u32 s3, $0x6  }
0xb: {  	_ =	strace $0x8000004A;
	s11 =	smul.u32 $0x13C000, s9;
	s12 =	sshll.u32 s9, $0x4  }
0xc: {  	s25 =	ssub.s32 $0x2, s9;
	s29 =	smul.u32 $0x28000, s9;
	s10 =	sshrl.u32 s8, $0x3  }
0xd: {  	s12 =	sor.u32 s3, s12;
	s13 =	sshrl.u32 s25, $0x1;
	s28 =	sshrl.u32 s14, $0x2  }
0xe: {  	s14 =	simm.s32 $0x1000;
	s10 =	sadd.s32 s10, s7;
	s8 =	sadd.s32 s8, s11  }
0xf: {  	s12 =	smul.u32 $0x2800, s12;
	s11 =	ssub.s32 s25, s13;
	s16 =	sadd.s32 s28, s4  }
0x10: {  	s13 =	simm.s32 $0x4;
	s8 =	sshrl.u32 s8, $0x3;
	s9 =	sadd.s32 $0x3000, s10  }
0x11: {  	s11 =	smax.u32 s11, $0x1;
	s16 =	sshrl.u32 s16, $0x3;
	s26 =	sshrl.u32 s12, $0x3  }
0x12: {  	s15 =	sadd.s32 s8, s7;
	s12 =	sadd.s32 s30, s29;
	s7 =	sadd.s32 s1, s26  }
0x13: {  	s8 =	sadd.s32 s2, s26;
	s10 =	sadd.s32 $0xA1800, s15;
	s15 =	sor.u32 $0x1C04, s31  }
.LBB2_1:
0x14: {  	[tilespmem:s5], [sflag:$0x4] =	stream.linear.gather [hbm4b:s7+s5], $0x800, $0x38;
	[tilespmem:$0x1DC00] =	vst v63  }
0x15: {  	_ =	swait.ge [sflag:s13], $0x800  }
0x16: {  	[sflag:s13] =	ssyncset.done $0x0  }
0x17: {  	[sflag:s13] =	ssyncadd.s32 $0xFFFFF800  }
0x18: {  	[tilespmem:s14], [sflag:$0x4] =	stream.linear.gather [hbm4b:s8+s5], $0x800, $0x38;
	[tilespmem:$0x1DC00] =	vst v63  }
0x19: {  	_ =	swait.ge [sflag:s13], $0x800  }
0x1a: {  	[sflag:s13] =	ssyncset.done $0x0  }
0x1b: {  	[sflag:s13] =	ssyncadd.s32 $0xFFFFF800  }
0x1c: {  	[spmem:s16], [sflag:s15] =	dma.local [hbm:s9], $0x2780  }
0x1d: {  	_ =	swait.ge [sflag:s13], $0x2780  }
0x1e: {  	[sflag:s13] =	ssyncset.done $0x0  }
0x1f: {  	[sflag:s13] =	ssyncadd.s32 $0xFFFFD880  }
0x20: {  	s23 =	simm.s32 $0x800;
	s24 =	simm.s32 $0x0;
	[bflag:$0x0] =	sbarrier.arrive $0xFFFF  }
.LBB2_2:
0x21: {  	p0 =	seq.s32 s23, $0x800  }
0x22: {  	s25 =	simm.s32 @!p0 $0x3  }
0x23: {  	_ =	swait.ge @!p0 [sflag:s25], $0x800  }
0x24: {  	[sflag:s25] =	ssyncset.done @!p0 $0x0  }
0x25: {  	[sflag:s25] =	ssyncadd.s32 @!p0 $0xFFFFF800  }
0x26: {  	p1 =	seq.s32 @!p0 s23, $0x2800;
	_ =	swait.ge @!p0 [sflag:s25], $0x800  }
0x27: {  	p1 =	por p0, !p1;
	[sflag:s25] =	ssyncset.done @!p0 $0x0  }
0x28: {  	[sflag:s25] =	ssyncadd.s32 @!p0 $0xFFFFF800;
	s25 =	sadd.s32 @p1 s23, s12  }
0x29: {  	s25 =	sshrl.u32 @p1 s25, $0x3  }
0x2a: {  	s26 =	sand.u32 @p1 $0x800, s23;
	s28 =	sadd.s32 @p1 s1, s25  }
0x2b: {  	[tilespmem:s26], [sflag:$0x3] =	stream.linear.gather @p1 [hbm4b:s28+s5], $0x800, $0x38;
	[tilespmem:$0x1DC00] =	vst v63  }
0x2c: {  	s29 =	sand.u32 $0x10, s24;
	s25 =	sadd.s32 @p1 s2, s25;
	s26 =	sor.u32 @p1 $0x1000, s26  }
0x2d: {  	[tilespmem:s26], [sflag:$0x3] =	stream.linear.gather @p1 [hbm4b:s25+s5], $0x800, $0x38;
	[tilespmem:$0x1DC00] =	vst v63  }
0x2e: {  	s25 =	sshll.u32 s29, $0x7  }
0x2f: {  	[tilespmem:s18], [sflag:$0x1] =	stream.indirect.gather [hbm4b:s6+s17], $0x80, s25, s17, $0xb8;
	[tilespmem:$0x1DC00] =	vst v63  }
0x30: {  	s30 =	sor.u32 $0x80, s25  }
0x31: {  	[tilespmem:s19], [sflag:$0x2] =	stream.indirect.gather [hbm4b:s6+s17], $0x80, s30, s17, $0xb8;
	[tilespmem:$0x1DC00] =	vst v63  }
0x32: {  	_ =	swait.ge [sflag:s20], $0x4000  }
0x33: {  	[sflag:s20] =	ssyncset.done $0x0  }
0x34: {  	s31 =	sor.u32 $0x1000, s25;
	[sflag:s20] =	ssyncadd.s32 $0xFFFFC000  }
0x35: {  	[spmem:s4] =	stream.indirect.scatter.add.f32 [tilespmem:s18], [sflag:$0x4], $0x80, s31, s17, $0xb8;
	[tilespmem:$0x1DC00] =	vst v63  }
0x36: {  	_ =	swait.ge [sflag:s13], $0x4000  }
0x37: {  	[sflag:s13] =	ssyncset.done $0x0  }
0x38: {  	s28 =	sadd.s32 $0x100, s25;
	[sflag:s13] =	ssyncadd.s32 $0xFFFFC000  }
0x39: {  	[tilespmem:s18], [sflag:$0x1] =	stream.indirect.gather [hbm4b:s6+s17], $0x80, s28, s17, $0xb8;
	[tilespmem:$0x1DC00] =	vst v63  }
0x3a: {  	_ =	swait.ge [sflag:s21], $0x4000  }
0x3b: {  	[sflag:s21] =	ssyncset.done $0x0  }
0x3c: {  	s29 =	sor.u32 $0x1080, s25;
	[sflag:s21] =	ssyncadd.s32 $0xFFFFC000  }
0x3d: {  	[spmem:s4] =	stream.indirect.scatter.add.f32 [tilespmem:s19], [sflag:$0x4], $0x80, s29, s17, $0xb8;
	[tilespmem:$0x1DC00] =	vst v63  }
0x3e: {  	_ =	swait.ge [sflag:s13], $0x4000  }
0x3f: {  	[sflag:s13] =	ssyncset.done $0x0  }
0x40: {  	s30 =	sor.u32 $0x180, s25;
	[sflag:s13] =	ssyncadd.s32 $0xFFFFC000  }
0x41: {  	[tilespmem:s19], [sflag:$0x2] =	stream.indirect.gather [hbm4b:s6+s17], $0x80, s30, s17, $0xb8;
	[tilespmem:$0x1DC00] =	vst v63  }
0x42: {  	_ =	swait.ge [sflag:s20], $0x4000  }
0x43: {  	[sflag:s20] =	ssyncset.done $0x0  }
0x44: {  	s31 =	sor.u32 $0x1100, s25;
	[sflag:s20] =	ssyncadd.s32 $0xFFFFC000  }
0x45: {  	[spmem:s4] =	stream.indirect.scatter.add.f32 [tilespmem:s18], [sflag:$0x4], $0x80, s31, s17, $0xb8;
	[tilespmem:$0x1DC00] =	vst v63  }
0x46: {  	_ =	swait.ge [sflag:s13], $0x4000  }
0x47: {  	[sflag:s13] =	ssyncset.done $0x0  }
0x48: {  	s28 =	sadd.s32 $0x200, s25;
	[sflag:s13] =	ssyncadd.s32 $0xFFFFC000  }
0x49: {  	[tilespmem:s18], [sflag:$0x1] =	stream.indirect.gather [hbm4b:s6+s17], $0x80, s28, s17, $0xb8;
	[tilespmem:$0x1DC00] =	vst v63  }
0x4a: {  	_ =	swait.ge [sflag:s21], $0x4000  }
0x4b: {  	[sflag:s21] =	ssyncset.done $0x0  }
0x4c: {  	s29 =	sor.u32 $0x1180, s25;
	[sflag:s21] =	ssyncadd.s32 $0xFFFFC000  }
0x4d: {  	[spmem:s4] =	stream.indirect.scatter.add.f32 [tilespmem:s19], [sflag:$0x4], $0x80, s29, s17, $0xb8;
	[tilespmem:$0x1DC00] =	vst v63  }
0x4e: {  	_ =	swait.ge [sflag:s13], $0x4000  }
0x4f: {  	[sflag:s13] =	ssyncset.done $0x0  }
0x50: {  	s30 =	sor.u32 $0x280, s25;
	[sflag:s13] =	ssyncadd.s32 $0xFFFFC000  }
0x51: {  	[tilespmem:s19], [sflag:$0x2] =	stream.indirect.gather [hbm4b:s6+s17], $0x80, s30, s17, $0xb8;
	[tilespmem:$0x1DC00] =	vst v63  }
0x52: {  	_ =	swait.ge [sflag:s20], $0x4000  }
0x53: {  	[sflag:s20] =	ssyncset.done $0x0  }
0x54: {  	s31 =	sor.u32 $0x1200, s25;
	[sflag:s20] =	ssyncadd.s32 $0xFFFFC000  }
0x55: {  	[spmem:s4] =	stream.indirect.scatter.add.f32 [tilespmem:s18], [sflag:$0x4], $0x80, s31, s17, $0xb8;
	[tilespmem:$0x1DC00] =	vst v63  }
0x56: {  	_ =	swait.ge [sflag:s13], $0x4000  }
0x57: {  	[sflag:s13] =	ssyncset.done $0x0  }
0x58: {  	s28 =	sadd.s32 $0x300, s25;
	[sflag:s13] =	ssyncadd.s32 $0xFFFFC000  }
0x59: {  	[tilespmem:s18], [sflag:$0x1] =	stream.indirect.gather [hbm4b:s6+s17], $0x80, s28, s17, $0xb8;
	[tilespmem:$0x1DC00] =	vst v63  }
0x5a: {  	_ =	swait.ge [sflag:s21], $0x4000  }
0x5b: {  	[sflag:s21] =	ssyncset.done $0x0  }
0x5c: {  	s29 =	sor.u32 $0x1280, s25;
	[sflag:s21] =	ssyncadd.s32 $0xFFFFC000  }
0x5d: {  	[spmem:s4] =	stream.indirect.scatter.add.f32 [tilespmem:s19], [sflag:$0x4], $0x80, s29, s17, $0xb8;
	[tilespmem:$0x1DC00] =	vst v63  }
0x5e: {  	_ =	swait.ge [sflag:s13], $0x4000  }
0x5f: {  	[sflag:s13] =	ssyncset.done $0x0  }
0x60: {  	s30 =	sor.u32 $0x380, s25;
	[sflag:s13] =	ssyncadd.s32 $0xFFFFC000  }
0x61: {  	[tilespmem:s19], [sflag:$0x2] =	stream.indirect.gather [hbm4b:s6+s17], $0x80, s30, s17, $0xb8;
	[tilespmem:$0x1DC00] =	vst v63  }
0x62: {  	_ =	swait.ge [sflag:s20], $0x4000  }
0x63: {  	[sflag:s20] =	ssyncset.done $0x0  }
0x64: {  	s31 =	sor.u32 $0x1300, s25;
	[sflag:s20] =	ssyncadd.s32 $0xFFFFC000  }
0x65: {  	[spmem:s4] =	stream.indirect.scatter.add.f32 [tilespmem:s18], [sflag:$0x4], $0x80, s31, s17, $0xb8;
	[tilespmem:$0x1DC00] =	vst v63  }
0x66: {  	_ =	swait.ge [sflag:s13], $0x4000  }
0x67: {  	[sflag:s13] =	ssyncset.done $0x0  }
0x68: {  	s28 =	sadd.s32 $0x400, s25;
	[sflag:s13] =	ssyncadd.s32 $0xFFFFC000  }
0x69: {  	[tilespmem:s18], [sflag:$0x1] =	stream.indirect.gather [hbm4b:s6+s17], $0x80, s28, s17, $0xb8;
	[tilespmem:$0x1DC00] =	vst v63  }
0x6a: {  	_ =	swait.ge [sflag:s21], $0x4000  }
0x6b: {  	[sflag:s21] =	ssyncset.done $0x0  }
0x6c: {  	s29 =	sor.u32 $0x1380, s25;
	[sflag:s21] =	ssyncadd.s32 $0xFFFFC000  }
0x6d: {  	[spmem:s4] =	stream.indirect.scatter.add.f32 [tilespmem:s19], [sflag:$0x4], $0x80, s29, s17, $0xb8;
	[tilespmem:$0x1DC00] =	vst v63  }
0x6e: {  	_ =	swait.ge [sflag:s13], $0x4000  }
0x6f: {  	[sflag:s13] =	ssyncset.done $0x0  }
0x70: {  	s30 =	sor.u32 $0x480, s25;
	[sflag:s13] =	ssyncadd.s32 $0xFFFFC000  }
0x71: {  	[tilespmem:s19], [sflag:$0x2] =	stream.indirect.gather [hbm4b:s6+s17], $0x80, s30, s17, $0xb8;
	[tilespmem:$0x1DC00] =	vst v63  }
0x72: {  	_ =	swait.ge [sflag:s20], $0x4000  }
0x73: {  	[sflag:s20] =	ssyncset.done $0x0  }
0x74: {  	s31 =	sor.u32 $0x1400, s25;
	[sflag:s20] =	ssyncadd.s32 $0xFFFFC000  }
0x75: {  	[spmem:s4] =	stream.indirect.scatter.add.f32 [tilespmem:s18], [sflag:$0x4], $0x80, s31, s17, $0xb8;
	[tilespmem:$0x1DC00] =	vst v63  }
0x76: {  	_ =	swait.ge [sflag:s13], $0x4000  }
0x77: {  	[sflag:s13] =	ssyncset.done $0x0  }
0x78: {  	s28 =	sadd.s32 $0x500, s25;
	[sflag:s13] =	ssyncadd.s32 $0xFFFFC000  }
0x79: {  	[tilespmem:s18], [sflag:$0x1] =	stream.indirect.gather [hbm4b:s6+s17], $0x80, s28, s17, $0xb8;
	[tilespmem:$0x1DC00] =	vst v63  }
0x7a: {  	_ =	swait.ge [sflag:s21], $0x4000  }
0x7b: {  	[sflag:s21] =	ssyncset.done $0x0  }
0x7c: {  	s29 =	sor.u32 $0x1480, s25;
	[sflag:s21] =	ssyncadd.s32 $0xFFFFC000  }
0x7d: {  	[spmem:s4] =	stream.indirect.scatter.add.f32 [tilespmem:s19], [sflag:$0x4], $0x80, s29, s17, $0xb8;
	[tilespmem:$0x1DC00] =	vst v63  }
0x7e: {  	_ =	swait.ge [sflag:s13], $0x4000  }
0x7f: {  	[sflag:s13] =	ssyncset.done $0x0  }
0x80: {  	s30 =	sor.u32 $0x580, s25;
	[sflag:s13] =	ssyncadd.s32 $0xFFFFC000  }
0x81: {  	[tilespmem:s19], [sflag:$0x2] =	stream.indirect.gather [hbm4b:s6+s17], $0x80, s30, s17, $0xb8;
	[tilespmem:$0x1DC00] =	vst v63  }
0x82: {  	_ =	swait.ge [sflag:s20], $0x4000  }
0x83: {  	[sflag:s20] =	ssyncset.done $0x0  }
0x84: {  	s31 =	sor.u32 $0x1500, s25;
	[sflag:s20] =	ssyncadd.s32 $0xFFFFC000  }
0x85: {  	[spmem:s4] =	stream.indirect.scatter.add.f32 [tilespmem:s18], [sflag:$0x4], $0x80, s31, s17, $0xb8;
	[tilespmem:$0x1DC00] =	vst v63  }
0x86: {  	_ =	swait.ge [sflag:s13], $0x4000  }
0x87: {  	[sflag:s13] =	ssyncset.done $0x0  }
0x88: {  	s28 =	sadd.s32 $0x600, s25;
	[sflag:s13] =	ssyncadd.s32 $0xFFFFC000  }
0x89: {  	[tilespmem:s18], [sflag:$0x1] =	stream.indirect.gather [hbm4b:s6+s17], $0x80, s28, s17, $0xb8;
	[tilespmem:$0x1DC00] =	vst v63  }
0x8a: {  	_ =	swait.ge [sflag:s21], $0x4000  }
0x8b: {  	[sflag:s21] =	ssyncset.done $0x0  }
0x8c: {  	s29 =	sor.u32 $0x1580, s25;
	[sflag:s21] =	ssyncadd.s32 $0xFFFFC000  }
0x8d: {  	[spmem:s4] =	stream.indirect.scatter.add.f32 [tilespmem:s19], [sflag:$0x4], $0x80, s29, s17, $0xb8;
	[tilespmem:$0x1DC00] =	vst v63  }
0x8e: {  	_ =	swait.ge [sflag:s13], $0x4000  }
0x8f: {  	[sflag:s13] =	ssyncset.done $0x0  }
0x90: {  	s30 =	sor.u32 $0x680, s25;
	[sflag:s13] =	ssyncadd.s32 $0xFFFFC000  }
0x91: {  	[tilespmem:s19], [sflag:$0x2] =	stream.indirect.gather [hbm4b:s6+s17], $0x80, s30, s17, $0xb8;
	[tilespmem:$0x1DC00] =	vst v63  }
0x92: {  	_ =	swait.ge [sflag:s20], $0x4000  }
0x93: {  	[sflag:s20] =	ssyncset.done $0x0  }
0x94: {  	s31 =	sor.u32 $0x1600, s25;
	[sflag:s20] =	ssyncadd.s32 $0xFFFFC000  }
0x95: {  	[spmem:s4] =	stream.indirect.scatter.add.f32 [tilespmem:s18], [sflag:$0x4], $0x80, s31, s17, $0xb8;
	[tilespmem:$0x1DC00] =	vst v63  }
0x96: {  	_ =	swait.ge [sflag:s13], $0x4000  }
0x97: {  	[sflag:s13] =	ssyncset.done $0x0  }
0x98: {  	s28 =	sadd.s32 $0x700, s25;
	[sflag:s13] =	ssyncadd.s32 $0xFFFFC000  }
0x99: {  	[tilespmem:s18], [sflag:$0x1] =	stream.indirect.gather [hbm4b:s6+s17], $0x80, s28, s17, $0xb8;
	[tilespmem:$0x1DC00] =	vst v63  }
0x9a: {  	_ =	swait.ge [sflag:s21], $0x4000  }
0x9b: {  	[sflag:s21] =	ssyncset.done $0x0  }
0x9c: {  	s29 =	sor.u32 $0x1680, s25;
	[sflag:s21] =	ssyncadd.s32 $0xFFFFC000  }
0x9d: {  	[spmem:s4] =	stream.indirect.scatter.add.f32 [tilespmem:s19], [sflag:$0x4], $0x80, s29, s17, $0xb8;
	[tilespmem:$0x1DC00] =	vst v63  }
0x9e: {  	_ =	swait.ge [sflag:s13], $0x4000  }
0x9f: {  	[sflag:s13] =	ssyncset.done $0x0  }
0xa0: {  	s30 =	sor.u32 $0x780, s25;
	[sflag:s13] =	ssyncadd.s32 $0xFFFFC000  }
0xa1: {  	[tilespmem:s19], [sflag:$0x2] =	stream.indirect.gather [hbm4b:s6+s17], $0x80, s30, s17, $0xb8;
	[tilespmem:$0x1DC00] =	vst v63  }
0xa2: {  	_ =	swait.ge [sflag:s20], $0x4000  }
0xa3: {  	[sflag:s20] =	ssyncset.done $0x0  }
0xa4: {  	s31 =	sadd.s32 $0x1700, s25;
	[sflag:s20] =	ssyncadd.s32 $0xFFFFC000  }
0xa5: {  	[spmem:s4] =	stream.indirect.scatter.add.f32 [tilespmem:s18], [sflag:$0x4], $0x80, s31, s17, $0xb8;
	[tilespmem:$0x1DC00] =	vst v63  }
0xa6: {  	_ =	swait.ge [sflag:s13], $0x4000  }
0xa7: {  	[sflag:s13] =	ssyncset.done $0x0  }
0xa8: {  	[sflag:s13] =	ssyncadd.s32 $0xFFFFC000  }
0xa9: {  	s23 =	sadd.s32 $0x800, s23;
	_ =	swait.ge [sflag:s21], $0x4000  }
0xaa: {  	p0 =	sne.s32 s23, $0x3000;
	[sflag:s21] =	ssyncset.done $0x0  }
.Ltmp0:
0xab: {  	s25 =	sor.u32 $0x1780, s25;
	[sflag:s21] =	ssyncadd.s32 $0xFFFFC000;
	(pc) =	sbr.rel @p0 .LBB2_2-.Ltmp0, $4  }
0xac: {  	[spmem:s4] =	stream.indirect.scatter.add.f32 [tilespmem:s19], [sflag:$0x4], $0x80, s25, s17, $0xb8;
	[tilespmem:$0x1DC00] =	vst v63  }
0xad: {  	_ =	swait.ge [sflag:s13], $0x4000  }
0xae: {  	[sflag:s13] =	ssyncset.done $0x0  }
0xaf: {  	s24 =	sadd.s32 $0x10, s24;
	[sflag:s13] =	ssyncadd.s32 $0xFFFFC000  }
0xb0: {  	s22 =	sadd.s32 $0x1, s22  }
0xb1: {  	p0 =	sne.s32 s22, s11  }
.Ltmp1:
0xb2: {  	[bflag:$0x0] =	sbarrier.arrive $0xFFFF;
	(pc) =	sbr.rel @p0 .LBB2_1-.Ltmp1, $4  }
0xb3: {  	[hbm:s10], [sflag:s15] =	dma.local [spmem:s16], $0x2780  }
0xb4: {  	_ =	swait.ge [sflag:s13], $0x2780  }
0xb5: {  	[sflag:s13] =	ssyncset.done $0x0  }
0xb6: {  	[sflag:s13] =	ssyncadd.s32 $0xFFFFD880  }
0xb7: {  	_ =	sfence.sel $0x180000  }
0xb8: {  	[bflag:$0x0] =	sbarrier.arrive $0xFFFF  }
0xb9: {  	p0 =	sne.s32 s3, $0x0;
	_ =	strace $0x9000004A  }
0xba: {  	s0 =	sadd.s32 @!p0 $0x100000, s0;
	[bflag:$0x2] =	sbarrier.arrive $0xFFFF  }
0xbb: {  	[sflag:s0] =	ssyncadd.tile.s32 @!p0 $0x1;
	_ =	shalt  }
.Lfunc_end2:
_tile_overlayer_lowered:
.L_overlay_start_2:
0xbc: {  	(tag) =	ssettag $0x2  }
0xbd: {  	s0 =	rddreg [dreg:$0x0];
	s2 =	stileid.u32  }
0xbe: {  	s1 =	rddreg [dreg:$0x1];
	p0 =	sne.s32 s2, $0x0  }
0xbf: {  	s3 =	rddreg [dreg:$0x2];
	[bflag:$0x3] =	sbarrier.arrive $0xFFFF;
	s2 =	simm.s32 @!p0 $0x1C04  }
0xc0: {  	[timem:s3], [sflag:s2] =	dma.local @!p0 [hbm:s0], s1  }
0xc1: {  	s0 =	simm.s32 @!p0 $0x4  }
0xc2: {  	_ =	swait.ge @!p0 [sflag:s0], s1  }
0xc3: {  	s1 =	ssub.s32 @!p0 $0x0, s1;
	[sflag:s0] =	ssyncset.done @!p0 $0x0  }
0xc4: {  	[sflag:s0] =	ssyncadd.s32 @!p0 s1  }
0xc5: {  	[bflag:$0x3] =	sbarrier.arrive $0xFFFF  }
0xc6: {  	_ =	shalt  }

// kernel: kernel.14.cloned.1.call-start
scs
__scs_entry_jumppad:
0x0: {  	(pc) =	sbr.rel $0x88, $3  }
0x1: {  	(tag) =	ssettag $0x0;
	lr =	simm.s32 $0x1  }
0x2: {  	[smem:$0x3F99] =	sst lr;
	_ =	strace $0xD0000000  }
0x3: {  	_ = 	snop  }
0x4: {  	_ = 	snop  }
0x5: {  	_ = 	snop  }
0x6: {  	_ = 	snop  }
0x7: {  	_ = 	snop  }
__scs_overlays_trampoline_lowered:
0x8: {  	[smem:$0x3FA8] =	sst s0  }
0x9: {  	[smem:$0x3FA9] =	sst s1  }
0xa: {  	[smem:$0x3FAA] =	sst s2  }
0xb: {  	[smem:$0x3FAB] =	sst s3  }
0xc: {  	[smem:$0x3FAC] =	sst s4  }
0xd: {  	[smem:$0x3FAD] =	sst s5  }
0xe: {  	[smem:$0x3FAE] =	sst s6  }
0xf: {  	[smem:$0x3FAF] =	sst s7  }
0x10: {  	[smem:$0x3FB0] =	sst s8  }
0x11: {  	[smem:$0x3FB1] =	sst s9;
	s0 =	simm.s32 @!p0 $0x0  }
0x12: {  	s1 =	sld [smem:$0x3F97];
	s0 =	simm.s32 @p0 $0x1  }
0x13: {  	[smem:$0x3FB2] =	sst s0;
	s0 =	simm.s32 @!p1 $0x0  }
0x14: {  	s2 =	sld [smem:$0x3F96];
	s0 =	simm.s32 @p1 $0x1  }
0x15: {  	[smem:$0x3FB3] =	sst s0;
	s0 =	simm.s32 @!p2 $0x0  }
0x16: {  	s3 =	sld [smem:$0x3FDB];
	s0 =	simm.s32 @p2 $0x1  }
0x17: {  	s4 =	simm.s32 $0x1BF5;
	[smem:$0x3FB5] =	sst s0  }
0x18: {  	s0 =	sld [smem:$0x3F98];
	_ =	swait.ge [sflag:s4], $0x0  }
0x19: {  	s7 =	sld [smem:$0x3F99]  }
0x1a: {  	s8 =	sadd.s32 $0xFFFFE003, lr  }
0x1b: {  	s9 =	sadd.s32 $0xFFFFFEF7, lr;
	s5 =	simm.s32 $0xFFFFFFFF;
	p2 =	slt.u32 s8, $0xFFFFF086  }
0x1c: {  	p1 =	slt.u32 s9, $0xF7A;
	s5 =	simm.s32 @!p2 $0x0  }
0x1d: {  	s5 =	simm.s32 @p1 $0x1;
	p0 =	seq.s32 s7, s2  }
0x1e: {  	s7 =	smul.u32 @!p0 $0xF7A, s2;
	p2 =	seq.s32 @!p0 s5, $0x0  }
0x1f: {  	s9 =	smul.u32 $0xF7A, s1;
	s8 =	simm.s32 @!p0 $0x1BF5;
	p2 =	por !p2, p0  }
0x20: {  	[sflag:s8] =	ssyncset.s32 @!p0 $0xFFFFF086;
	s6 =	sadd.s32 @!p0 s3, s7;
	s7 =	simm.s32 @!p0 $0x108  }
0x21: {  	s3 =	sadd.s32 s3, s9;
	s6 =	sadd.s32 @!p0 $0x88, s6;
	s7 =	simm.s32 @p2 $0x1082  }
0x22: {  	[simem:s7], [sflag:s8] =	dma.local @!p0 [hbm:s6], $0xF7A  }
0x23: {  	s9 =	sor.u32 $0xD0000000, s2;
	s6 =	simm.s32 $0x108;
	_ =	swait.ge @!p0 [sflag:s8], $0x0  }
0x24: {  	s3 =	sadd.s32 $0x88, s3;
	s6 =	simm.s32 @!p1 $0x1082;
	[sflag:s4] =	ssyncset.s32 $0xFFFFF086  }
0x25: {  	[simem:s6], [sflag:s4] =	dma.local [hbm:s3], $0xF7A  }
0x26: {  	[smem:$0x3F99] =	sst s1;
	(tag) =	ssettag s2;
	_ =	strace s9  }
0x27: {  	s1 =	sld [smem:$0x3FA9]  }
0x28: {  	s2 =	sld [smem:$0x3FAA]  }
0x29: {  	s4 =	sld [smem:$0x3FAC]  }
0x2a: {  	p0 =	seq.s32 s5, $0x0;
	s5 =	sld [smem:$0x3FAD]  }
0x2b: {  	s6 =	sld [smem:$0x3FAE]  }
0x2c: {  	s7 =	sld [smem:$0x3FAF]  }
0x2d: {  	s3 =	simm.s32 $0x108;
	s8 =	sld [smem:$0x3FB0]  }
0x2e: {  	s3 =	simm.s32 @!p0 $0x1082;
	s9 =	sld [smem:$0x3FB1]  }
0x2f: {  	lr =	sadd.s32 s0, s3;
	s0 =	sld [smem:$0x3FA8]  }
0x30: {  	s3 =	sld [smem:$0x3FAB]  }
0x31: {  	[smem:$0x3FB4] =	sst s10  }
0x32: {  	s10 =	sld [smem:$0x3FB2];
	_ =	sdelay $0x3  }
0x33: {  	p0 =	seq.s32 s10, $0x1;
	s10 =	sld [smem:$0x3FB4];
	_ =	sdelay $0x3  }
0x34: {  	[smem:$0x3FB4] =	sst s10  }
0x35: {  	s10 =	sld [smem:$0x3FB3];
	_ =	sdelay $0x3  }
0x36: {  	p1 =	seq.s32 s10, $0x1;
	s10 =	sld [smem:$0x3FB4];
	_ =	sdelay $0x3  }
0x37: {  	[smem:$0x3FB4] =	sst s10  }
0x38: {  	s10 =	sld [smem:$0x3FB5]  }
0x39: {  	_ = 	snop;
	(pc) =	sbr.ind lr, $3  }
0x3a: {  	_ = 	snop  }
0x3b: {  	_ = 	snop  }
0x3c: {  	p2 =	seq.s32 s10, $0x1;
	s10 =	sld [smem:$0x3FB4]  }
0x3d: {  	_ =	shalt  }
0x3e: {  	_ =	shalt  }
0x3f: {  	_ =	shalt  }
0x40: {  	_ =	shalt  }
0x41: {  	_ =	shalt  }
0x42: {  	_ =	shalt  }
0x43: {  	_ =	shalt  }
0x44: {  	_ =	shalt  }
0x45: {  	_ =	shalt  }
0x46: {  	_ =	shalt  }
0x47: {  	_ =	shalt  }
0x48: {  	_ =	shalt  }
0x49: {  	_ =	shalt  }
0x4a: {  	_ =	shalt  }
0x4b: {  	_ =	shalt  }
0x4c: {  	_ =	shalt  }
0x4d: {  	_ =	shalt  }
0x4e: {  	_ =	shalt  }
0x4f: {  	_ =	shalt  }
0x50: {  	_ =	shalt  }
0x51: {  	_ =	shalt  }
0x52: {  	_ =	shalt  }
0x53: {  	_ =	shalt  }
0x54: {  	_ =	shalt  }
0x55: {  	_ =	shalt  }
0x56: {  	_ =	shalt  }
0x57: {  	_ =	shalt  }
0x58: {  	_ =	shalt  }
0x59: {  	_ =	shalt  }
0x5a: {  	_ =	shalt  }
0x5b: {  	_ =	shalt  }
0x5c: {  	_ =	shalt  }
0x5d: {  	_ =	shalt  }
0x5e: {  	_ =	shalt  }
0x5f: {  	_ =	shalt  }
0x60: {  	_ =	shalt  }
0x61: {  	_ =	shalt  }
0x62: {  	_ =	shalt  }
0x63: {  	_ =	shalt  }
0x64: {  	_ =	shalt  }
0x65: {  	_ =	shalt  }
0x66: {  	_ =	shalt  }
0x67: {  	_ =	shalt  }
0x68: {  	_ =	shalt  }
0x69: {  	_ =	shalt  }
0x6a: {  	_ =	shalt  }
0x6b: {  	_ =	shalt  }
0x6c: {  	_ =	shalt  }
0x6d: {  	_ =	shalt  }
0x6e: {  	_ =	shalt  }
0x6f: {  	_ =	shalt  }
0x70: {  	_ =	shalt  }
0x71: {  	_ =	shalt  }
0x72: {  	_ =	shalt  }
0x73: {  	_ =	shalt  }
0x74: {  	_ =	shalt  }
0x75: {  	_ =	shalt  }
0x76: {  	_ =	shalt  }
0x77: {  	_ =	shalt  }
0x78: {  	_ =	shalt  }
0x79: {  	_ =	shalt  }
0x7a: {  	_ =	shalt  }
0x7b: {  	_ =	shalt  }
0x7c: {  	_ =	shalt  }
0x7d: {  	_ =	shalt  }
0x7e: {  	_ =	shalt  }
0x7f: {  	_ =	shalt  }
0x80: {  	_ =	shalt  }
0x81: {  	_ =	shalt  }
0x82: {  	_ =	shalt  }
0x83: {  	_ =	shalt  }
0x84: {  	_ =	shalt  }
0x85: {  	_ =	shalt  }
0x86: {  	_ =	shalt  }
0x87: {  	_ =	shalt  }
.Lfunc_end0:
.L_simem_size_0:
called_computation.2_lowered:
.L_overlay_start_0:
0x88: {  	s2 =	sld [smem:$0x3FD9]  }
0x89: {  	s3 =	sld [smem:$0x3FFE];
	_ =	sdelay $0x1  }
0x8a: {  	s1 =	srdreg.scid  }
0x8b: {  	s0 =	sand.u32 $0x1, s1  }
0x8c: {  	s14 =	sshll.u32 s0, $0xA;
	s2 =	sadd.s32 s3, s2  }
0x8d: {  	s2 =	sadd.s32 s2, s14  }
0x8e: {  	[smem:$0x3FC0] =	sst s2  }
0x8f: {  	_ = 	snop  }
0x90: {  	s2 =	sld [smem:$0x3FD0];
	_ =	sdelay $0x2  }
0x91: {  	s15 =	simm.s32 $0xA;
	s4 =	simm.s32 $0x10  }
0x92: {  	[smem:s4], [sflag:s15] =	dma.local [hbm:s2], $0x1  }
0x93: {  	_ =	swait.eq [sflag:s15], $0x1  }
0x94: {  	[sflag:s15] =	ssyncset.done $0x0  }
0x95: {  	s16 =	sld [smem:$0x10];
	[sflag:s15] =	ssyncadd.s32 $0xFFFFFFFF  }
0x96: {  	s17 =	sld [smem:$0x11];
	(tm) =	ssettm $0x1  }
0x97: {  	s18 =	sld [smem:$0x3FFB];
	_ =	sdelay $0x3  }
0x98: {  	_ =	strace s18  }
0x99: {  	s4 =	sld [smem:$0x3FFC];
	_ =	sdelay $0x3  }
0x9a: {  	_ =	strace s4  }
0x9b: {  	s4 =	sld [smem:$0x3FFD];
	_ =	sdelay $0x3  }
0x9c: {  	_ =	strace s4  }
0x9d: {  	_ =	strace $0x8FFFFFFF  }
0x9e: {  	s19 =	sld [smem:$0x3FDB];
	_ =	sdelay $0x1  }
0x9f: {  	s5 =	simm.s32 $_scs_section_size  }
0xa0: {  	s6 =	simm.s32 $_size__tile_overlayer_lowered;
	s7 =	simm.s32 $_tile_overlayer_lowered  }
0xa1: {  	s22 =	simm.s32 $0x1BFF;
	s21 =	sshll.u32 s7, $0x1;
	s4 =	sadd.s32 s5, s19  }
0xa2: {  	s8 =	simm.s32 $0x0;
	s20 =	sshll.u32 s6, $0x1;
	s6 =	sadd.s32 s21, s4  }
0xa3: {  	[timem:s8], [sflag:s22] =	dma.local [hbm:s6], s20  }
0xa4: {  	_ =	swait.ge [sflag:s22], s20  }
0xa5: {  	s5 =	ssub.s32 $0x0, s20;
	[sflag:s22] =	ssyncset.done $0x0  }
0xa6: {  	[sflag:s22] =	ssyncadd.s32 s5;
	_ =	sdelay $0x1  }
0xa7: {  	s23 =	simm.s32 $0x1B8B  }
0xa8: {  	_ =	swait.ge [sflag:s23], $0x1  }
0xa9: {  	[sflag:s23] =	ssyncset.done $0x0  }
0xaa: {  	s25 =	simm.s32 $0x1B8E;
	s24 =	sld [smem:$0x3FFE];
	[sflag:s23] =	ssyncadd.s32 $0xFFFFFFFF  }
0xab: {  	s26 =	simm.s32 $execute0_lowered;
	[smem:$0x3FD2] =	sst s25  }
0xac: {  	s6 =	sshll.u32 s26, $0x1;
	_ =	strace $0x8000004C;
	[dreg:$0x1] =	wrdreg $0xFFFFFFFF  }
0xad: {  	s28 =	simm.s32 $_size_execute0_lowered;
	s4 =	sadd.s32 s4, s6;
	[dreg:$0x0] =	wrdreg $0x0  }
0xae: {  	s6 =	sshll.u32 s28, $0x1;
	[dreg:$0x2] =	wrdreg s4  }
0xaf: {  	[dreg:$0x3] =	wrdreg s6  }
0xb0: {  	[dreg:$0x4] =	wrdreg $0xC0  }
0xb1: {  	_ =	task [dreg:s8], $0x5FFFF  }
0xb2: {  	[dreg:$0x1] =	wrdreg $0xFFFFFFFF  }
0xb3: {  	[dreg:$0x0] =	wrdreg $0x60  }
0xb4: {  	[dreg:$0x2] =	wrdreg s24  }
0xb5: {  	[dreg:$0x3] =	wrdreg s17  }
0xb6: {  	[dreg:$0x4] =	wrdreg s16  }
0xb7: {  	[dreg:$0x5] =	wrdreg $0xA0000  }
0xb8: {  	[dreg:$0x6] =	wrdreg $0x9  }
0xb9: {  	_ =	task.clear_ibuf [dreg:s8], $0x7FFFF;
	_ =	strace $0x9000004C  }
0xba: {  	s29 =	simm.s32 $0x9;
	_ =	strace $0x8000004E  }
0xbb: {  	_ =	swait.ge [sflag:s29], $0x1  }
0xbc: {  	[sflag:s29] =	ssyncadd.s32 $0xFFFFFFFF  }
0xbd: {  	_ =	strace $0x9000004E  }
0xbe: {  	_ =	sfence  }
0xbf: {  	s30 =	sld [smem:$0x0];
	_ =	sdelay $0x2  }
0xc0: {  	s31 =	sshll.u32 s1, $0xD;
	s1 =	sshrl.u32 s1, $0x2  }
0xc1: {  	s3 =	sand.u32 $0x4000, s31;
	s1 =	sadd.s32 s1, s30  }
0xc2: {  	s0 =	sor.u32 s3, s0;
	s1 =	sshll.u32 s1, $0x11  }
0xc3: {  	s0 =	sor.u32 s1, s0  }
0xc4: {  	s0 =	sadd.s32 $0x8F2B, s0  }
0xc5: {  	[sflag:s0] =	ssyncadd.remote.s32 $0x1  }
0xc6: {  	_ =	sfence.sel $0xFFFF  }
0xc7: {  	[dreg:$0x0] =	wrdreg $0xFFFFFFFF;
	(pc) =	sbr.abs _section_cstart, $3  }
0xc8: {  	[dreg:$0x1] =	wrdreg $0xFFFFFFFF  }
0xc9: {  	_ =	task.clear_ibuf [dreg:s8], $0x2FFFF;
	_ =	strace $0x9FFFFFFF  }
0xca: {  	(tm) =	ssettm $0x7FFFFFFF  }
0xcb: {  	_ =	shalt  }
tec
execute0_lowered:
.L_overlay_start_1:
0x0: {  	(tag) =	ssettag $0x1  }
0x1: {  	s7 =	rddreg [dreg:$0x0]  }
0x2: {  	s1 =	rddreg [dreg:$0x1]  }
0x3: {  	s2 =	rddreg [dreg:$0x2]  }
0x4: {  	s4 =	rddreg [dreg:$0x3]  }
0x5: {  	s0 =	rddreg [dreg:$0x4];
	s5 =	simm.s32 $0x0  }
0x6: {  	s3 =	stileid.u32;
	s6 =	srdreg.scid;
	s17 =	simm.s32 $0x80  }
0x7: {  	s18 =	simm.s32 $0x2000;
	s19 =	simm.s32 $0x6000;
	s20 =	simm.s32 $0x1  }
0x8: {  	s21 =	simm.s32 $0x2;
	s22 =	simm.s32 $0x0;
	s8 =	smul.u32 $0x13C00, s3  }
0x9: {  	[smem:$0x7FF] =	sst s5;
	s9 =	sand.u32 $0x1, s6;
	s14 =	smul.u32 $0x4F000, s3  }
0xa: {  	s6 =	sadd.s32 $0x7A000, s7;
	s30 =	smul.u32 $0x2800, s3;
	s31 =	sshll.u32 s3, $0x6  }
0xb: {  	_ =	strace $0x8000004D;
	s11 =	smul.u32 $0x13C000, s9;
	s12 =	sshll.u32 s9, $0x4  }
0xc: {  	s25 =	ssub.s32 $0x2, s9;
	s29 =	smul.u32 $0x28000, s9;
	s10 =	sshrl.u32 s8, $0x3  }
0xd: {  	s12 =	sor.u32 s3, s12;
	s13 =	sshrl.u32 s25, $0x1;
	s28 =	sshrl.u32 s14, $0x2  }
0xe: {  	s14 =	simm.s32 $0x1000;
	s10 =	sadd.s32 s10, s7;
	s8 =	sadd.s32 s8, s11  }
0xf: {  	s12 =	smul.u32 $0x2800, s12;
	s11 =	ssub.s32 s25, s13;
	s16 =	sadd.s32 s28, s4  }
0x10: {  	s13 =	simm.s32 $0x4;
	s8 =	sshrl.u32 s8, $0x3;
	s9 =	sadd.s32 $0x3000, s10  }
0x11: {  	s11 =	smax.u32 s11, $0x1;
	s16 =	sshrl.u32 s16, $0x3;
	s26 =	sshrl.u32 s12, $0x3  }
0x12: {  	s15 =	sadd.s32 s8, s7;
	s12 =	sadd.s32 s30, s29;
	s7 =	sadd.s32 s1, s26  }
0x13: {  	s8 =	sadd.s32 s2, s26;
	s10 =	sadd.s32 $0xA1800, s15;
	s15 =	sor.u32 $0x1C04, s31  }
.LBB2_1:
0x14: {  	[tilespmem:s5], [sflag:$0x4] =	stream.linear.gather [hbm4b:s7+s5], $0x800, $0x38;
	[tilespmem:$0x1DC00] =	vst v63  }
0x15: {  	_ =	swait.ge [sflag:s13], $0x800  }
0x16: {  	[sflag:s13] =	ssyncset.done $0x0  }
0x17: {  	[sflag:s13] =	ssyncadd.s32 $0xFFFFF800  }
0x18: {  	[tilespmem:s14], [sflag:$0x4] =	stream.linear.gather [hbm4b:s8+s5], $0x800, $0x38;
	[tilespmem:$0x1DC00] =	vst v63  }
0x19: {  	_ =	swait.ge [sflag:s13], $0x800  }
0x1a: {  	[sflag:s13] =	ssyncset.done $0x0  }
0x1b: {  	[sflag:s13] =	ssyncadd.s32 $0xFFFFF800  }
0x1c: {  	[spmem:s16], [sflag:s15] =	dma.local [hbm:s9], $0x2780  }
0x1d: {  	_ =	swait.ge [sflag:s13], $0x2780  }
0x1e: {  	[sflag:s13] =	ssyncset.done $0x0  }
0x1f: {  	[sflag:s13] =	ssyncadd.s32 $0xFFFFD880  }
0x20: {  	s23 =	simm.s32 $0x800;
	s24 =	simm.s32 $0x0;
	[bflag:$0x0] =	sbarrier.arrive $0xFFFF  }
.LBB2_2:
0x21: {  	p0 =	seq.s32 s23, $0x800  }
0x22: {  	s25 =	simm.s32 @!p0 $0x3  }
0x23: {  	_ =	swait.ge @!p0 [sflag:s25], $0x800  }
0x24: {  	[sflag:s25] =	ssyncset.done @!p0 $0x0  }
0x25: {  	[sflag:s25] =	ssyncadd.s32 @!p0 $0xFFFFF800  }
0x26: {  	p1 =	seq.s32 @!p0 s23, $0x2800;
	_ =	swait.ge @!p0 [sflag:s25], $0x800  }
0x27: {  	p1 =	por p0, !p1;
	[sflag:s25] =	ssyncset.done @!p0 $0x0  }
0x28: {  	[sflag:s25] =	ssyncadd.s32 @!p0 $0xFFFFF800;
	s25 =	sadd.s32 @p1 s23, s12  }
0x29: {  	s25 =	sshrl.u32 @p1 s25, $0x3  }
0x2a: {  	s26 =	sand.u32 @p1 $0x800, s23;
	s28 =	sadd.s32 @p1 s1, s25  }
0x2b: {  	[tilespmem:s26], [sflag:$0x3] =	stream.linear.gather @p1 [hbm4b:s28+s5], $0x800, $0x38;
	[tilespmem:$0x1DC00] =	vst v63  }
0x2c: {  	s29 =	sand.u32 $0x10, s24;
	s25 =	sadd.s32 @p1 s2, s25;
	s26 =	sor.u32 @p1 $0x1000, s26  }
0x2d: {  	[tilespmem:s26], [sflag:$0x3] =	stream.linear.gather @p1 [hbm4b:s25+s5], $0x800, $0x38;
	[tilespmem:$0x1DC00] =	vst v63  }
0x2e: {  	s25 =	sshll.u32 s29, $0x7  }
0x2f: {  	[tilespmem:s18], [sflag:$0x1] =	stream.indirect.gather [hbm4b:s6+s17], $0x80, s25, s17, $0xb8;
	[tilespmem:$0x1DC00] =	vst v63  }
0x30: {  	s30 =	sor.u32 $0x80, s25  }
0x31: {  	[tilespmem:s19], [sflag:$0x2] =	stream.indirect.gather [hbm4b:s6+s17], $0x80, s30, s17, $0xb8;
	[tilespmem:$0x1DC00] =	vst v63  }
0x32: {  	_ =	swait.ge [sflag:s20], $0x4000  }
0x33: {  	[sflag:s20] =	ssyncset.done $0x0  }
0x34: {  	s31 =	sor.u32 $0x1000, s25;
	[sflag:s20] =	ssyncadd.s32 $0xFFFFC000  }
0x35: {  	[spmem:s4] =	stream.indirect.scatter.add.f32 [tilespmem:s18], [sflag:$0x4], $0x80, s31, s17, $0xb8;
	[tilespmem:$0x1DC00] =	vst v63  }
0x36: {  	_ =	swait.ge [sflag:s13], $0x4000  }
0x37: {  	[sflag:s13] =	ssyncset.done $0x0  }
0x38: {  	s28 =	sadd.s32 $0x100, s25;
	[sflag:s13] =	ssyncadd.s32 $0xFFFFC000  }
0x39: {  	[tilespmem:s18], [sflag:$0x1] =	stream.indirect.gather [hbm4b:s6+s17], $0x80, s28, s17, $0xb8;
	[tilespmem:$0x1DC00] =	vst v63  }
0x3a: {  	_ =	swait.ge [sflag:s21], $0x4000  }
0x3b: {  	[sflag:s21] =	ssyncset.done $0x0  }
0x3c: {  	s29 =	sor.u32 $0x1080, s25;
	[sflag:s21] =	ssyncadd.s32 $0xFFFFC000  }
0x3d: {  	[spmem:s4] =	stream.indirect.scatter.add.f32 [tilespmem:s19], [sflag:$0x4], $0x80, s29, s17, $0xb8;
	[tilespmem:$0x1DC00] =	vst v63  }
0x3e: {  	_ =	swait.ge [sflag:s13], $0x4000  }
0x3f: {  	[sflag:s13] =	ssyncset.done $0x0  }
0x40: {  	s30 =	sor.u32 $0x180, s25;
	[sflag:s13] =	ssyncadd.s32 $0xFFFFC000  }
0x41: {  	[tilespmem:s19], [sflag:$0x2] =	stream.indirect.gather [hbm4b:s6+s17], $0x80, s30, s17, $0xb8;
	[tilespmem:$0x1DC00] =	vst v63  }
0x42: {  	_ =	swait.ge [sflag:s20], $0x4000  }
0x43: {  	[sflag:s20] =	ssyncset.done $0x0  }
0x44: {  	s31 =	sor.u32 $0x1100, s25;
	[sflag:s20] =	ssyncadd.s32 $0xFFFFC000  }
0x45: {  	[spmem:s4] =	stream.indirect.scatter.add.f32 [tilespmem:s18], [sflag:$0x4], $0x80, s31, s17, $0xb8;
	[tilespmem:$0x1DC00] =	vst v63  }
0x46: {  	_ =	swait.ge [sflag:s13], $0x4000  }
0x47: {  	[sflag:s13] =	ssyncset.done $0x0  }
0x48: {  	s28 =	sadd.s32 $0x200, s25;
	[sflag:s13] =	ssyncadd.s32 $0xFFFFC000  }
0x49: {  	[tilespmem:s18], [sflag:$0x1] =	stream.indirect.gather [hbm4b:s6+s17], $0x80, s28, s17, $0xb8;
	[tilespmem:$0x1DC00] =	vst v63  }
0x4a: {  	_ =	swait.ge [sflag:s21], $0x4000  }
0x4b: {  	[sflag:s21] =	ssyncset.done $0x0  }
0x4c: {  	s29 =	sor.u32 $0x1180, s25;
	[sflag:s21] =	ssyncadd.s32 $0xFFFFC000  }
0x4d: {  	[spmem:s4] =	stream.indirect.scatter.add.f32 [tilespmem:s19], [sflag:$0x4], $0x80, s29, s17, $0xb8;
	[tilespmem:$0x1DC00] =	vst v63  }
0x4e: {  	_ =	swait.ge [sflag:s13], $0x4000  }
0x4f: {  	[sflag:s13] =	ssyncset.done $0x0  }
0x50: {  	s30 =	sor.u32 $0x280, s25;
	[sflag:s13] =	ssyncadd.s32 $0xFFFFC000  }
0x51: {  	[tilespmem:s19], [sflag:$0x2] =	stream.indirect.gather [hbm4b:s6+s17], $0x80, s30, s17, $0xb8;
	[tilespmem:$0x1DC00] =	vst v63  }
0x52: {  	_ =	swait.ge [sflag:s20], $0x4000  }
0x53: {  	[sflag:s20] =	ssyncset.done $0x0  }
0x54: {  	s31 =	sor.u32 $0x1200, s25;
	[sflag:s20] =	ssyncadd.s32 $0xFFFFC000  }
0x55: {  	[spmem:s4] =	stream.indirect.scatter.add.f32 [tilespmem:s18], [sflag:$0x4], $0x80, s31, s17, $0xb8;
	[tilespmem:$0x1DC00] =	vst v63  }
0x56: {  	_ =	swait.ge [sflag:s13], $0x4000  }
0x57: {  	[sflag:s13] =	ssyncset.done $0x0  }
0x58: {  	s28 =	sadd.s32 $0x300, s25;
	[sflag:s13] =	ssyncadd.s32 $0xFFFFC000  }
0x59: {  	[tilespmem:s18], [sflag:$0x1] =	stream.indirect.gather [hbm4b:s6+s17], $0x80, s28, s17, $0xb8;
	[tilespmem:$0x1DC00] =	vst v63  }
0x5a: {  	_ =	swait.ge [sflag:s21], $0x4000  }
0x5b: {  	[sflag:s21] =	ssyncset.done $0x0  }
0x5c: {  	s29 =	sor.u32 $0x1280, s25;
	[sflag:s21] =	ssyncadd.s32 $0xFFFFC000  }
0x5d: {  	[spmem:s4] =	stream.indirect.scatter.add.f32 [tilespmem:s19], [sflag:$0x4], $0x80, s29, s17, $0xb8;
	[tilespmem:$0x1DC00] =	vst v63  }
0x5e: {  	_ =	swait.ge [sflag:s13], $0x4000  }
0x5f: {  	[sflag:s13] =	ssyncset.done $0x0  }
0x60: {  	s30 =	sor.u32 $0x380, s25;
	[sflag:s13] =	ssyncadd.s32 $0xFFFFC000  }
0x61: {  	[tilespmem:s19], [sflag:$0x2] =	stream.indirect.gather [hbm4b:s6+s17], $0x80, s30, s17, $0xb8;
	[tilespmem:$0x1DC00] =	vst v63  }
0x62: {  	_ =	swait.ge [sflag:s20], $0x4000  }
0x63: {  	[sflag:s20] =	ssyncset.done $0x0  }
0x64: {  	s31 =	sor.u32 $0x1300, s25;
	[sflag:s20] =	ssyncadd.s32 $0xFFFFC000  }
0x65: {  	[spmem:s4] =	stream.indirect.scatter.add.f32 [tilespmem:s18], [sflag:$0x4], $0x80, s31, s17, $0xb8;
	[tilespmem:$0x1DC00] =	vst v63  }
0x66: {  	_ =	swait.ge [sflag:s13], $0x4000  }
0x67: {  	[sflag:s13] =	ssyncset.done $0x0  }
0x68: {  	s28 =	sadd.s32 $0x400, s25;
	[sflag:s13] =	ssyncadd.s32 $0xFFFFC000  }
0x69: {  	[tilespmem:s18], [sflag:$0x1] =	stream.indirect.gather [hbm4b:s6+s17], $0x80, s28, s17, $0xb8;
	[tilespmem:$0x1DC00] =	vst v63  }
0x6a: {  	_ =	swait.ge [sflag:s21], $0x4000  }
0x6b: {  	[sflag:s21] =	ssyncset.done $0x0  }
0x6c: {  	s29 =	sor.u32 $0x1380, s25;
	[sflag:s21] =	ssyncadd.s32 $0xFFFFC000  }
0x6d: {  	[spmem:s4] =	stream.indirect.scatter.add.f32 [tilespmem:s19], [sflag:$0x4], $0x80, s29, s17, $0xb8;
	[tilespmem:$0x1DC00] =	vst v63  }
0x6e: {  	_ =	swait.ge [sflag:s13], $0x4000  }
0x6f: {  	[sflag:s13] =	ssyncset.done $0x0  }
0x70: {  	s30 =	sor.u32 $0x480, s25;
	[sflag:s13] =	ssyncadd.s32 $0xFFFFC000  }
0x71: {  	[tilespmem:s19], [sflag:$0x2] =	stream.indirect.gather [hbm4b:s6+s17], $0x80, s30, s17, $0xb8;
	[tilespmem:$0x1DC00] =	vst v63  }
0x72: {  	_ =	swait.ge [sflag:s20], $0x4000  }
0x73: {  	[sflag:s20] =	ssyncset.done $0x0  }
0x74: {  	s31 =	sor.u32 $0x1400, s25;
	[sflag:s20] =	ssyncadd.s32 $0xFFFFC000  }
0x75: {  	[spmem:s4] =	stream.indirect.scatter.add.f32 [tilespmem:s18], [sflag:$0x4], $0x80, s31, s17, $0xb8;
	[tilespmem:$0x1DC00] =	vst v63  }
0x76: {  	_ =	swait.ge [sflag:s13], $0x4000  }
0x77: {  	[sflag:s13] =	ssyncset.done $0x0  }
0x78: {  	s28 =	sadd.s32 $0x500, s25;
	[sflag:s13] =	ssyncadd.s32 $0xFFFFC000  }
0x79: {  	[tilespmem:s18], [sflag:$0x1] =	stream.indirect.gather [hbm4b:s6+s17], $0x80, s28, s17, $0xb8;
	[tilespmem:$0x1DC00] =	vst v63  }
0x7a: {  	_ =	swait.ge [sflag:s21], $0x4000  }
0x7b: {  	[sflag:s21] =	ssyncset.done $0x0  }
0x7c: {  	s29 =	sor.u32 $0x1480, s25;
	[sflag:s21] =	ssyncadd.s32 $0xFFFFC000  }
0x7d: {  	[spmem:s4] =	stream.indirect.scatter.add.f32 [tilespmem:s19], [sflag:$0x4], $0x80, s29, s17, $0xb8;
	[tilespmem:$0x1DC00] =	vst v63  }
0x7e: {  	_ =	swait.ge [sflag:s13], $0x4000  }
0x7f: {  	[sflag:s13] =	ssyncset.done $0x0  }
0x80: {  	s30 =	sor.u32 $0x580, s25;
	[sflag:s13] =	ssyncadd.s32 $0xFFFFC000  }
0x81: {  	[tilespmem:s19], [sflag:$0x2] =	stream.indirect.gather [hbm4b:s6+s17], $0x80, s30, s17, $0xb8;
	[tilespmem:$0x1DC00] =	vst v63  }
0x82: {  	_ =	swait.ge [sflag:s20], $0x4000  }
0x83: {  	[sflag:s20] =	ssyncset.done $0x0  }
0x84: {  	s31 =	sor.u32 $0x1500, s25;
	[sflag:s20] =	ssyncadd.s32 $0xFFFFC000  }
0x85: {  	[spmem:s4] =	stream.indirect.scatter.add.f32 [tilespmem:s18], [sflag:$0x4], $0x80, s31, s17, $0xb8;
	[tilespmem:$0x1DC00] =	vst v63  }
0x86: {  	_ =	swait.ge [sflag:s13], $0x4000  }
0x87: {  	[sflag:s13] =	ssyncset.done $0x0  }
0x88: {  	s28 =	sadd.s32 $0x600, s25;
	[sflag:s13] =	ssyncadd.s32 $0xFFFFC000  }
0x89: {  	[tilespmem:s18], [sflag:$0x1] =	stream.indirect.gather [hbm4b:s6+s17], $0x80, s28, s17, $0xb8;
	[tilespmem:$0x1DC00] =	vst v63  }
0x8a: {  	_ =	swait.ge [sflag:s21], $0x4000  }
0x8b: {  	[sflag:s21] =	ssyncset.done $0x0  }
0x8c: {  	s29 =	sor.u32 $0x1580, s25;
	[sflag:s21] =	ssyncadd.s32 $0xFFFFC000  }
0x8d: {  	[spmem:s4] =	stream.indirect.scatter.add.f32 [tilespmem:s19], [sflag:$0x4], $0x80, s29, s17, $0xb8;
	[tilespmem:$0x1DC00] =	vst v63  }
0x8e: {  	_ =	swait.ge [sflag:s13], $0x4000  }
0x8f: {  	[sflag:s13] =	ssyncset.done $0x0  }
0x90: {  	s30 =	sor.u32 $0x680, s25;
	[sflag:s13] =	ssyncadd.s32 $0xFFFFC000  }
0x91: {  	[tilespmem:s19], [sflag:$0x2] =	stream.indirect.gather [hbm4b:s6+s17], $0x80, s30, s17, $0xb8;
	[tilespmem:$0x1DC00] =	vst v63  }
0x92: {  	_ =	swait.ge [sflag:s20], $0x4000  }
0x93: {  	[sflag:s20] =	ssyncset.done $0x0  }
0x94: {  	s31 =	sor.u32 $0x1600, s25;
	[sflag:s20] =	ssyncadd.s32 $0xFFFFC000  }
0x95: {  	[spmem:s4] =	stream.indirect.scatter.add.f32 [tilespmem:s18], [sflag:$0x4], $0x80, s31, s17, $0xb8;
	[tilespmem:$0x1DC00] =	vst v63  }
0x96: {  	_ =	swait.ge [sflag:s13], $0x4000  }
0x97: {  	[sflag:s13] =	ssyncset.done $0x0  }
0x98: {  	s28 =	sadd.s32 $0x700, s25;
	[sflag:s13] =	ssyncadd.s32 $0xFFFFC000  }
0x99: {  	[tilespmem:s18], [sflag:$0x1] =	stream.indirect.gather [hbm4b:s6+s17], $0x80, s28, s17, $0xb8;
	[tilespmem:$0x1DC00] =	vst v63  }
0x9a: {  	_ =	swait.ge [sflag:s21], $0x4000  }
0x9b: {  	[sflag:s21] =	ssyncset.done $0x0  }
0x9c: {  	s29 =	sor.u32 $0x1680, s25;
	[sflag:s21] =	ssyncadd.s32 $0xFFFFC000  }
0x9d: {  	[spmem:s4] =	stream.indirect.scatter.add.f32 [tilespmem:s19], [sflag:$0x4], $0x80, s29, s17, $0xb8;
	[tilespmem:$0x1DC00] =	vst v63  }
0x9e: {  	_ =	swait.ge [sflag:s13], $0x4000  }
0x9f: {  	[sflag:s13] =	ssyncset.done $0x0  }
0xa0: {  	s30 =	sor.u32 $0x780, s25;
	[sflag:s13] =	ssyncadd.s32 $0xFFFFC000  }
0xa1: {  	[tilespmem:s19], [sflag:$0x2] =	stream.indirect.gather [hbm4b:s6+s17], $0x80, s30, s17, $0xb8;
	[tilespmem:$0x1DC00] =	vst v63  }
0xa2: {  	_ =	swait.ge [sflag:s20], $0x4000  }
0xa3: {  	[sflag:s20] =	ssyncset.done $0x0  }
0xa4: {  	s31 =	sadd.s32 $0x1700, s25;
	[sflag:s20] =	ssyncadd.s32 $0xFFFFC000  }
0xa5: {  	[spmem:s4] =	stream.indirect.scatter.add.f32 [tilespmem:s18], [sflag:$0x4], $0x80, s31, s17, $0xb8;
	[tilespmem:$0x1DC00] =	vst v63  }
0xa6: {  	_ =	swait.ge [sflag:s13], $0x4000  }
0xa7: {  	[sflag:s13] =	ssyncset.done $0x0  }
0xa8: {  	[sflag:s13] =	ssyncadd.s32 $0xFFFFC000  }
0xa9: {  	s23 =	sadd.s32 $0x800, s23;
	_ =	swait.ge [sflag:s21], $0x4000  }
0xaa: {  	p0 =	sne.s32 s23, $0x3000;
	[sflag:s21] =	ssyncset.done $0x0  }
.Ltmp0:
0xab: {  	s25 =	sor.u32 $0x1780, s25;
	[sflag:s21] =	ssyncadd.s32 $0xFFFFC000;
	(pc) =	sbr.rel @p0 .LBB2_2-.Ltmp0, $4  }
0xac: {  	[spmem:s4] =	stream.indirect.scatter.add.f32 [tilespmem:s19], [sflag:$0x4], $0x80, s25, s17, $0xb8;
	[tilespmem:$0x1DC00] =	vst v63  }
0xad: {  	_ =	swait.ge [sflag:s13], $0x4000  }
0xae: {  	[sflag:s13] =	ssyncset.done $0x0  }
0xaf: {  	s24 =	sadd.s32 $0x10, s24;
	[sflag:s13] =	ssyncadd.s32 $0xFFFFC000  }
0xb0: {  	s22 =	sadd.s32 $0x1, s22  }
0xb1: {  	p0 =	sne.s32 s22, s11  }
.Ltmp1:
0xb2: {  	[bflag:$0x0] =	sbarrier.arrive $0xFFFF;
	(pc) =	sbr.rel @p0 .LBB2_1-.Ltmp1, $4  }
0xb3: {  	[hbm:s10], [sflag:s15] =	dma.local [spmem:s16], $0x2780  }
0xb4: {  	_ =	swait.ge [sflag:s13], $0x2780  }
0xb5: {  	[sflag:s13] =	ssyncset.done $0x0  }
0xb6: {  	[sflag:s13] =	ssyncadd.s32 $0xFFFFD880  }
0xb7: {  	_ =	sfence.sel $0x180000  }
0xb8: {  	[bflag:$0x0] =	sbarrier.arrive $0xFFFF  }
0xb9: {  	p0 =	sne.s32 s3, $0x0;
	_ =	strace $0x9000004D  }
0xba: {  	s0 =	sadd.s32 @!p0 $0x100000, s0;
	[bflag:$0x2] =	sbarrier.arrive $0xFFFF  }
0xbb: {  	[sflag:s0] =	ssyncadd.tile.s32 @!p0 $0x1;
	_ =	shalt  }
.Lfunc_end2:
_tile_overlayer_lowered:
.L_overlay_start_2:
0xbc: {  	(tag) =	ssettag $0x2  }
0xbd: {  	s0 =	rddreg [dreg:$0x0];
	s2 =	stileid.u32  }
0xbe: {  	s1 =	rddreg [dreg:$0x1];
	p0 =	sne.s32 s2, $0x0  }
0xbf: {  	s3 =	rddreg [dreg:$0x2];
	[bflag:$0x3] =	sbarrier.arrive $0xFFFF;
	s2 =	simm.s32 @!p0 $0x1C04  }
0xc0: {  	[timem:s3], [sflag:s2] =	dma.local @!p0 [hbm:s0], s1  }
0xc1: {  	s0 =	simm.s32 @!p0 $0x4  }
0xc2: {  	_ =	swait.ge @!p0 [sflag:s0], s1  }
0xc3: {  	s1 =	ssub.s32 @!p0 $0x0, s1;
	[sflag:s0] =	ssyncset.done @!p0 $0x0  }
0xc4: {  	[sflag:s0] =	ssyncadd.s32 @!p0 s1  }
0xc5: {  	[bflag:$0x3] =	sbarrier.arrive $0xFFFF  }
0xc6: {  	_ =	shalt  }

// kernel: kernel.8.cloned.1.call-start
scs
__scs_entry_jumppad:
0x0: {  	(pc) =	sbr.rel $0x88, $3  }
0x1: {  	(tag) =	ssettag $0x0;
	lr =	simm.s32 $0x1  }
0x2: {  	[smem:$0x3F99] =	sst lr;
	_ =	strace $0xD0000000  }
0x3: {  	_ = 	snop  }
0x4: {  	_ = 	snop  }
0x5: {  	_ = 	snop  }
0x6: {  	_ = 	snop  }
0x7: {  	_ = 	snop  }
__scs_overlays_trampoline_lowered:
0x8: {  	[smem:$0x3FA8] =	sst s0  }
0x9: {  	[smem:$0x3FA9] =	sst s1  }
0xa: {  	[smem:$0x3FAA] =	sst s2  }
0xb: {  	[smem:$0x3FAB] =	sst s3  }
0xc: {  	[smem:$0x3FAC] =	sst s4  }
0xd: {  	[smem:$0x3FAD] =	sst s5  }
0xe: {  	[smem:$0x3FAE] =	sst s6  }
0xf: {  	[smem:$0x3FAF] =	sst s7  }
0x10: {  	[smem:$0x3FB0] =	sst s8  }
0x11: {  	[smem:$0x3FB1] =	sst s9;
	s0 =	simm.s32 @!p0 $0x0  }
0x12: {  	s1 =	sld [smem:$0x3F97];
	s0 =	simm.s32 @p0 $0x1  }
0x13: {  	[smem:$0x3FB2] =	sst s0;
	s0 =	simm.s32 @!p1 $0x0  }
0x14: {  	s2 =	sld [smem:$0x3F96];
	s0 =	simm.s32 @p1 $0x1  }
0x15: {  	[smem:$0x3FB3] =	sst s0;
	s0 =	simm.s32 @!p2 $0x0  }
0x16: {  	s3 =	sld [smem:$0x3FDB];
	s0 =	simm.s32 @p2 $0x1  }
0x17: {  	s4 =	simm.s32 $0x1BF5;
	[smem:$0x3FB5] =	sst s0  }
0x18: {  	s0 =	sld [smem:$0x3F98];
	_ =	swait.ge [sflag:s4], $0x0  }
0x19: {  	s7 =	sld [smem:$0x3F99]  }
0x1a: {  	s8 =	sadd.s32 $0xFFFFE003, lr  }
0x1b: {  	s9 =	sadd.s32 $0xFFFFFEF7, lr;
	s5 =	simm.s32 $0xFFFFFFFF;
	p2 =	slt.u32 s8, $0xFFFFF086  }
0x1c: {  	p1 =	slt.u32 s9, $0xF7A;
	s5 =	simm.s32 @!p2 $0x0  }
0x1d: {  	s5 =	simm.s32 @p1 $0x1;
	p0 =	seq.s32 s7, s2  }
0x1e: {  	s7 =	smul.u32 @!p0 $0xF7A, s2;
	p2 =	seq.s32 @!p0 s5, $0x0  }
0x1f: {  	s9 =	smul.u32 $0xF7A, s1;
	s8 =	simm.s32 @!p0 $0x1BF5;
	p2 =	por !p2, p0  }
0x20: {  	[sflag:s8] =	ssyncset.s32 @!p0 $0xFFFFF086;
	s6 =	sadd.s32 @!p0 s3, s7;
	s7 =	simm.s32 @!p0 $0x108  }
0x21: {  	s3 =	sadd.s32 s3, s9;
	s6 =	sadd.s32 @!p0 $0x88, s6;
	s7 =	simm.s32 @p2 $0x1082  }
0x22: {  	[simem:s7], [sflag:s8] =	dma.local @!p0 [hbm:s6], $0xF7A  }
0x23: {  	s9 =	sor.u32 $0xD0000000, s2;
	s6 =	simm.s32 $0x108;
	_ =	swait.ge @!p0 [sflag:s8], $0x0  }
0x24: {  	s3 =	sadd.s32 $0x88, s3;
	s6 =	simm.s32 @!p1 $0x1082;
	[sflag:s4] =	ssyncset.s32 $0xFFFFF086  }
0x25: {  	[simem:s6], [sflag:s4] =	dma.local [hbm:s3], $0xF7A  }
0x26: {  	[smem:$0x3F99] =	sst s1;
	(tag) =	ssettag s2;
	_ =	strace s9  }
0x27: {  	s1 =	sld [smem:$0x3FA9]  }
0x28: {  	s2 =	sld [smem:$0x3FAA]  }
0x29: {  	s4 =	sld [smem:$0x3FAC]  }
0x2a: {  	p0 =	seq.s32 s5, $0x0;
	s5 =	sld [smem:$0x3FAD]  }
0x2b: {  	s6 =	sld [smem:$0x3FAE]  }
0x2c: {  	s7 =	sld [smem:$0x3FAF]  }
0x2d: {  	s3 =	simm.s32 $0x108;
	s8 =	sld [smem:$0x3FB0]  }
0x2e: {  	s3 =	simm.s32 @!p0 $0x1082;
	s9 =	sld [smem:$0x3FB1]  }
0x2f: {  	lr =	sadd.s32 s0, s3;
	s0 =	sld [smem:$0x3FA8]  }
0x30: {  	s3 =	sld [smem:$0x3FAB]  }
0x31: {  	[smem:$0x3FB4] =	sst s10  }
0x32: {  	s10 =	sld [smem:$0x3FB2];
	_ =	sdelay $0x3  }
0x33: {  	p0 =	seq.s32 s10, $0x1;
	s10 =	sld [smem:$0x3FB4];
	_ =	sdelay $0x3  }
0x34: {  	[smem:$0x3FB4] =	sst s10  }
0x35: {  	s10 =	sld [smem:$0x3FB3];
	_ =	sdelay $0x3  }
0x36: {  	p1 =	seq.s32 s10, $0x1;
	s10 =	sld [smem:$0x3FB4];
	_ =	sdelay $0x3  }
0x37: {  	[smem:$0x3FB4] =	sst s10  }
0x38: {  	s10 =	sld [smem:$0x3FB5]  }
0x39: {  	_ = 	snop;
	(pc) =	sbr.ind lr, $3  }
0x3a: {  	_ = 	snop  }
0x3b: {  	_ = 	snop  }
0x3c: {  	p2 =	seq.s32 s10, $0x1;
	s10 =	sld [smem:$0x3FB4]  }
0x3d: {  	_ =	shalt  }
0x3e: {  	_ =	shalt  }
0x3f: {  	_ =	shalt  }
0x40: {  	_ =	shalt  }
0x41: {  	_ =	shalt  }
0x42: {  	_ =	shalt  }
0x43: {  	_ =	shalt  }
0x44: {  	_ =	shalt  }
0x45: {  	_ =	shalt  }
0x46: {  	_ =	shalt  }
0x47: {  	_ =	shalt  }
0x48: {  	_ =	shalt  }
0x49: {  	_ =	shalt  }
0x4a: {  	_ =	shalt  }
0x4b: {  	_ =	shalt  }
0x4c: {  	_ =	shalt  }
0x4d: {  	_ =	shalt  }
0x4e: {  	_ =	shalt  }
0x4f: {  	_ =	shalt  }
0x50: {  	_ =	shalt  }
0x51: {  	_ =	shalt  }
0x52: {  	_ =	shalt  }
0x53: {  	_ =	shalt  }
0x54: {  	_ =	shalt  }
0x55: {  	_ =	shalt  }
0x56: {  	_ =	shalt  }
0x57: {  	_ =	shalt  }
0x58: {  	_ =	shalt  }
0x59: {  	_ =	shalt  }
0x5a: {  	_ =	shalt  }
0x5b: {  	_ =	shalt  }
0x5c: {  	_ =	shalt  }
0x5d: {  	_ =	shalt  }
0x5e: {  	_ =	shalt  }
0x5f: {  	_ =	shalt  }
0x60: {  	_ =	shalt  }
0x61: {  	_ =	shalt  }
0x62: {  	_ =	shalt  }
0x63: {  	_ =	shalt  }
0x64: {  	_ =	shalt  }
0x65: {  	_ =	shalt  }
0x66: {  	_ =	shalt  }
0x67: {  	_ =	shalt  }
0x68: {  	_ =	shalt  }
0x69: {  	_ =	shalt  }
0x6a: {  	_ =	shalt  }
0x6b: {  	_ =	shalt  }
0x6c: {  	_ =	shalt  }
0x6d: {  	_ =	shalt  }
0x6e: {  	_ =	shalt  }
0x6f: {  	_ =	shalt  }
0x70: {  	_ =	shalt  }
0x71: {  	_ =	shalt  }
0x72: {  	_ =	shalt  }
0x73: {  	_ =	shalt  }
0x74: {  	_ =	shalt  }
0x75: {  	_ =	shalt  }
0x76: {  	_ =	shalt  }
0x77: {  	_ =	shalt  }
0x78: {  	_ =	shalt  }
0x79: {  	_ =	shalt  }
0x7a: {  	_ =	shalt  }
0x7b: {  	_ =	shalt  }
0x7c: {  	_ =	shalt  }
0x7d: {  	_ =	shalt  }
0x7e: {  	_ =	shalt  }
0x7f: {  	_ =	shalt  }
0x80: {  	_ =	shalt  }
0x81: {  	_ =	shalt  }
0x82: {  	_ =	shalt  }
0x83: {  	_ =	shalt  }
0x84: {  	_ =	shalt  }
0x85: {  	_ =	shalt  }
0x86: {  	_ =	shalt  }
0x87: {  	_ =	shalt  }
.Lfunc_end0:
.L_simem_size_0:
called_computation_lowered:
.L_overlay_start_0:
0x88: {  	s2 =	sld [smem:$0x3FD9]  }
0x89: {  	s3 =	sld [smem:$0x3FFE];
	_ =	sdelay $0x1  }
0x8a: {  	s1 =	srdreg.scid  }
0x8b: {  	s0 =	sand.u32 $0x1, s1  }
0x8c: {  	s14 =	sshll.u32 s0, $0xA;
	s2 =	sadd.s32 s3, s2  }
0x8d: {  	s2 =	sadd.s32 s2, s14  }
0x8e: {  	[smem:$0x3FC0] =	sst s2  }
0x8f: {  	_ = 	snop  }
0x90: {  	s2 =	sld [smem:$0x3FD0];
	_ =	sdelay $0x2  }
0x91: {  	s15 =	simm.s32 $0xA;
	s4 =	simm.s32 $0x10  }
0x92: {  	[smem:s4], [sflag:s15] =	dma.local [hbm:s2], $0x1  }
0x93: {  	_ =	swait.eq [sflag:s15], $0x1  }
0x94: {  	[sflag:s15] =	ssyncset.done $0x0  }
0x95: {  	[sflag:s15] =	ssyncadd.s32 $0xFFFFFFFF  }
0x96: {  	s16 =	sld [smem:$0x10];
	(tm) =	ssettm $0x1  }
0x97: {  	s17 =	sld [smem:$0x3FFB];
	_ =	sdelay $0x3  }
0x98: {  	_ =	strace s17  }
0x99: {  	s3 =	sld [smem:$0x3FFC];
	_ =	sdelay $0x3  }
0x9a: {  	_ =	strace s3  }
0x9b: {  	s3 =	sld [smem:$0x3FFD];
	_ =	sdelay $0x3  }
0x9c: {  	_ =	strace s3  }
0x9d: {  	_ =	strace $0x8FFFFFFF  }
0x9e: {  	s18 =	sld [smem:$0x3FDB];
	_ =	sdelay $0x1  }
0x9f: {  	s19 =	simm.s32 $_scs_section_size  }
0xa0: {  	s5 =	simm.s32 $_size__tile_overlayer_lowered;
	s6 =	simm.s32 $_tile_overlayer_lowered  }
0xa1: {  	s22 =	simm.s32 $0x1BFF;
	s21 =	sshll.u32 s6, $0x1;
	s3 =	sadd.s32 s19, s18  }
0xa2: {  	s7 =	simm.s32 $0x0;
	s20 =	sshll.u32 s5, $0x1;
	s5 =	sadd.s32 s21, s3  }
0xa3: {  	[timem:s7], [sflag:s22] =	dma.local [hbm:s5], s20  }
0xa4: {  	_ =	swait.ge [sflag:s22], s20  }
0xa5: {  	s4 =	ssub.s32 $0x0, s20;
	[sflag:s22] =	ssyncset.done $0x0  }
0xa6: {  	[sflag:s22] =	ssyncadd.s32 s4;
	_ =	sdelay $0x1  }
0xa7: {  	s23 =	simm.s32 $0x1B8B  }
0xa8: {  	_ =	swait.ge [sflag:s23], $0x1  }
0xa9: {  	[sflag:s23] =	ssyncset.done $0x0  }
0xaa: {  	s25 =	simm.s32 $0x1B8E;
	s24 =	sld [smem:$0x3FFE];
	[sflag:s23] =	ssyncadd.s32 $0xFFFFFFFF  }
0xab: {  	s26 =	simm.s32 $execute0_lowered;
	[smem:$0x3FD2] =	sst s25  }
0xac: {  	s5 =	sshll.u32 s26, $0x1;
	_ =	strace $0x80000046;
	[dreg:$0x1] =	wrdreg $0xFFFFFFFF  }
0xad: {  	s28 =	simm.s32 $_size_execute0_lowered;
	s3 =	sadd.s32 s3, s5;
	[dreg:$0x0] =	wrdreg $0x0  }
0xae: {  	s5 =	sshll.u32 s28, $0x1;
	[dreg:$0x2] =	wrdreg s3  }
0xaf: {  	[dreg:$0x3] =	wrdreg s5  }
0xb0: {  	[dreg:$0x4] =	wrdreg $0xC0  }
0xb1: {  	_ =	task [dreg:s7], $0x5FFFF  }
0xb2: {  	[dreg:$0x1] =	wrdreg $0xFFFFFFFF  }
0xb3: {  	[dreg:$0x0] =	wrdreg $0x60  }
0xb4: {  	[dreg:$0x2] =	wrdreg s16  }
0xb5: {  	[dreg:$0x3] =	wrdreg s24  }
0xb6: {  	[dreg:$0x4] =	wrdreg $0x68000  }
0xb7: {  	[dreg:$0x5] =	wrdreg $0x9  }
0xb8: {  	_ =	task.clear_ibuf [dreg:s7], $0x6FFFF;
	_ =	strace $0x90000046  }
0xb9: {  	s29 =	simm.s32 $0x9;
	_ =	strace $0x80000048  }
0xba: {  	_ =	swait.ge [sflag:s29], $0x1  }
0xbb: {  	[sflag:s29] =	ssyncadd.s32 $0xFFFFFFFF  }
0xbc: {  	_ =	strace $0x90000048  }
0xbd: {  	_ =	sfence  }
0xbe: {  	s30 =	sld [smem:$0x0];
	_ =	sdelay $0x2  }
0xbf: {  	s31 =	sshll.u32 s1, $0xD;
	s1 =	sshrl.u32 s1, $0x2  }
0xc0: {  	s3 =	sand.u32 $0x4000, s31;
	s1 =	sadd.s32 s1, s30  }
0xc1: {  	s0 =	sor.u32 s3, s0;
	s1 =	sshll.u32 s1, $0x11  }
0xc2: {  	s0 =	sor.u32 s1, s0  }
0xc3: {  	s0 =	sadd.s32 $0x8F2B, s0  }
0xc4: {  	[sflag:s0] =	ssyncadd.remote.s32 $0x1  }
0xc5: {  	_ =	sfence.sel $0xFFFF  }
0xc6: {  	[dreg:$0x0] =	wrdreg $0xFFFFFFFF;
	(pc) =	sbr.abs _section_cstart, $3  }
0xc7: {  	[dreg:$0x1] =	wrdreg $0xFFFFFFFF  }
0xc8: {  	_ =	task.clear_ibuf [dreg:s7], $0x2FFFF;
	_ =	strace $0x9FFFFFFF  }
0xc9: {  	(tm) =	ssettm $0x7FFFFFFF  }
tec
execute0_lowered:
.L_overlay_start_1:
0x0: {  	(tag) =	ssettag $0x1  }
0x1: {  	s7 =	rddreg [dreg:$0x0]  }
0x2: {  	s5 =	rddreg [dreg:$0x1];
	s0 =	stileid.u32  }
0x3: {  	s1 =	srdreg.scid;
	s2 =	rddreg [dreg:$0x2]  }
0x4: {  	s3 =	simm.s32 $0x0;
	s13 =	simm.s32 $0x80;
	s14 =	simm.s32 $0x0  }
0x5: {  	s4 =	smul.u32 $0x13C00, s0;
	s6 =	sand.u32 $0x1, s1;
	s1 =	rddreg [dreg:$0x3]  }
0x6: {  	[smem:$0x7FF] =	sst s3;
	s11 =	smul.u32 $0x4F000, s0;
	s31 =	sshll.u32 s0, $0x6  }
0x7: {  	s8 =	smul.u32 $0x13C000, s6;
	_ =	strace $0x80000047;
	s10 =	ssub.s32 $0x2, s6  }
0x8: {  	s6 =	sshll.u32 s6, $0x4;
	s9 =	sshrl.u32 s4, $0x3;
	s28 =	sshrl.u32 s10, $0x1  }
0x9: {  	s6 =	sor.u32 s0, s6;
	s29 =	sshrl.u32 s11, $0x2;
	s11 =	simm.s32 $0x1  }
0xa: {  	s8 =	sadd.s32 s4, s8;
	s9 =	sadd.s32 s9, s5;
	s4 =	sadd.s32 $0x2A800, s5  }
0xb: {  	s10 =	ssub.s32 s10, s28;
	s30 =	smul.u32 $0x500, s6;
	s8 =	sshrl.u32 s8, $0x3  }
0xc: {  	s12 =	sadd.s32 s29, s2;
	s6 =	sor.u32 $0x1C01, s31;
	s8 =	sadd.s32 s8, s5  }
0xd: {  	s5 =	sadd.s32 $0x3000, s9;
	s7 =	sadd.s32 s7, s30;
	s9 =	smax.u32 s10, $0x1  }
0xe: {  	s10 =	sshrl.u32 s12, $0x3;
	s12 =	simm.s32 $0x2800;
	s8 =	sadd.s32 $0x2B000, s8  }
.LBB2_1:
0xf: {  	[spmem:s10], [sflag:s6] =	dma.local [hbm:s5], $0x2780  }
0x10: {  	_ =	swait.ge [sflag:s11], $0x2780  }
0x11: {  	[sflag:s11] =	ssyncset.done $0x0  }
0x12: {  	[sflag:s11] =	ssyncadd.s32 $0xFFFFD880  }
0x13: {  	[tilespmem:s3], [sflag:$0x1] =	stream.linear.gather [hbm4b:s7+s3], $0x2800, $0x38;
	[tilespmem:$0x1A400] =	vst v63  }
0x14: {  	_ =	swait.ge [sflag:s11], $0x2800  }
0x15: {  	[sflag:s11] =	ssyncset.done $0x0  }
0x16: {  	[sflag:s11] =	ssyncadd.s32 $0xFFFFD800  }
0x17: {  	[tilespmem:s12], [sflag:$0x1] =	stream.linear.gather [hbm4b:s4+s3], $0x4000, $0x38;
	[tilespmem:$0x1A400] =	vst v63  }
0x18: {  	_ =	swait.ge [sflag:s11], $0x4000  }
0x19: {  	[sflag:s11] =	ssyncset.done $0x0  }
0x1a: {  	[sflag:s11] =	ssyncadd.s32 $0xFFFFC000  }
0x1b: {  	s15 =	simm.s32 $0x0;
	[bflag:$0x0] =	sbarrier.arrive $0xFFFF  }
0x1c: {  	[spmem:s2] =	stream.indirect.scatter.add.f32 [tilespmem:s12], [sflag:$0x1], $0x80, s15, s13, $0xb8;
	[tilespmem:$0x1A400] =	vst v63  }
0x1d: {  	_ =	swait.ge [sflag:s11], $0x4000  }
0x1e: {  	s15 =	simm.s32 $0x200;
	[sflag:s11] =	ssyncset.done $0x0  }
.LBB2_2:
0x1f: {  	s16 =	sshra.s32 s15, $0x2;
	[sflag:s11] =	ssyncadd.s32 $0xFFFFC000;
	p0 =	sne.s32 s15, $0x9E00  }
0x20: {  	[spmem:s2] =	stream.indirect.scatter.add.f32 [tilespmem:s12], [sflag:$0x1], $0x80, s16, s13, $0xb8;
	[tilespmem:$0x1A400] =	vst v63  }
.Ltmp0:
0x21: {  	_ = 	snop;
	(pc) =	sbr.rel @p0 .LBB2_2-.Ltmp0, $4  }
0x22: {  	_ = 	snop  }
0x23: {  	s15 =	sadd.s32 $0x200, s15  }
0x24: {  	_ =	swait.ge [sflag:s11], $0x4000  }
0x25: {  	[sflag:s11] =	ssyncset.done $0x0  }
0x26: {  	s14 =	sadd.s32 $0x1, s14  }
0x27: {  	[sflag:s11] =	ssyncadd.s32 $0xFFFFC000;
	p0 =	sne.s32 s14, s9  }
.Ltmp1:
0x28: {  	[bflag:$0x0] =	sbarrier.arrive $0xFFFF;
	(pc) =	sbr.rel @p0 .LBB2_1-.Ltmp1, $4  }
0x29: {  	[hbm:s8], [sflag:s6] =	dma.local [spmem:s10], $0x2780  }
0x2a: {  	_ =	swait.ge [sflag:s11], $0x2780  }
0x2b: {  	[sflag:s11] =	ssyncset.done $0x0  }
0x2c: {  	[sflag:s11] =	ssyncadd.s32 $0xFFFFD880  }
0x2d: {  	_ =	sfence.sel $0x180000  }
0x2e: {  	[bflag:$0x0] =	sbarrier.arrive $0xFFFF  }
0x2f: {  	p0 =	sne.s32 s0, $0x0;
	_ =	strace $0x90000047  }
0x30: {  	s0 =	sadd.s32 @!p0 $0x100000, s1;
	[bflag:$0x2] =	sbarrier.arrive $0xFFFF  }
0x31: {  	[sflag:s0] =	ssyncadd.tile.s32 @!p0 $0x1;
	_ =	shalt  }
.Lfunc_end2:
_tile_overlayer_lowered:
.L_overlay_start_2:
0x32: {  	(tag) =	ssettag $0x2  }
0x33: {  	s0 =	rddreg [dreg:$0x0];
	s2 =	stileid.u32  }
0x34: {  	s1 =	rddreg [dreg:$0x1];
	p0 =	sne.s32 s2, $0x0  }
0x35: {  	s3 =	rddreg [dreg:$0x2];
	[bflag:$0x3] =	sbarrier.arrive $0xFFFF;
	s2 =	simm.s32 @!p0 $0x1C01  }
0x36: {  	[timem:s3], [sflag:s2] =	dma.local @!p0 [hbm:s0], s1  }
0x37: {  	s0 =	simm.s32 @!p0 $0x1  }
0x38: {  	_ =	swait.ge @!p0 [sflag:s0], s1  }
0x39: {  	s1 =	ssub.s32 @!p0 $0x0, s1;
	[sflag:s0] =	ssyncset.done @!p0 $0x0  }
0x3a: {  	[sflag:s0] =	ssyncadd.s32 @!p0 s1  }
0x3b: {  	[bflag:$0x3] =	sbarrier.arrive $0xFFFF  }
0x3c: {  	_ =	shalt  }

</sc_bundles>
